<compile_context>
chip_gen: v7x
topology: tpu7x:2x2x1
jax: 0.10.2.dev20260603
libtpu: 0.0.44.dev20260713+nightly
codegen_flags: <defaults>
</compile_context>

<pallas_src>
import functools

import jax
import jax.numpy as jnp
from jax import lax
from jax.experimental import pallas as pl
from jax.experimental.pallas import tpu as pltpu
from jax.experimental.pallas import tpu_sc as plsc

VOCAB = 1000
VPAD = 1024
D = 1000
B, T = 1024, 200
N = B * T

NC, NS, L = 2, 16, 16
NW = NC * NS
NBLK = D // 8
SCHUNK = 4096
NSC = N // SCHUNK
B_PER_W = N // NW


def _row_lse_body(w_ref, out_ref):
    w = w_ref[...]
    m = jnp.max(w, axis=1)
    s = jnp.sum(jnp.exp(w - m[:, None]), axis=1)
    out_ref[...] = jnp.log(s) + m


def _row_lse(w_pad):
    return pl.pallas_call(
        _row_lse_body,
        out_shape=jax.ShapeDtypeStruct((VPAD,), jnp.float32),
    )(w_pad)


_MESH = plsc.VectorSubcoreMesh(core_axis_name="c", subcore_axis_name="s")


@functools.partial(
    pl.kernel,
    mesh=_MESH,
    compiler_params=pltpu.CompilerParams(needs_layout_passes=False),
    out_type=[
        jax.ShapeDtypeStruct((D, N), jnp.float32),
        jax.ShapeDtypeStruct((NW * L,), jnp.float32),
    ],
    scratch_types=[
        pltpu.VMEM((B_PER_W,), jnp.int32),
        pltpu.VMEM((VPAD,), jnp.float32),
        pltpu.VMEM((8, VPAD), jnp.float32),
        pltpu.VMEM((2, SCHUNK), jnp.int32),
        pltpu.VMEM((2, SCHUNK), jnp.int32),
        pltpu.VMEM((2, 8, SCHUNK), jnp.float32),
        pltpu.SemaphoreType.DMA,
        pltpu.SemaphoreType.DMA,
        pltpu.SemaphoreType.DMA,
        pltpu.SemaphoreType.DMA,
    ],
)
def _sc_gather(x_hbm, t_hbm, lse_hbm, wt_hbm, out_hbm, psum_hbm,
               idxl_v, lse_v, wt_v, xv_v, tv_v, tbuf_v,
               p0sem, p1sem, w0sem, w1sem):
    wid = lax.axis_index("s") * NC + lax.axis_index("c")
    psem = (p0sem, p1sem)
    wsem = (w0sem, w1sem)
    lanes = lax.iota(jnp.int32, L)

    pltpu.sync_copy(x_hbm.at[pl.ds(wid * B_PER_W, B_PER_W)], idxl_v)
    pltpu.sync_copy(lse_hbm, lse_v)

    def lse_step(k, acc):
        xv = idxl_v[pl.ds(k * L, L)]
        return acc + plsc.load_gather(lse_v, [xv])

    acc_lse = lax.fori_loop(
        0, B_PER_W // L, lse_step, jnp.zeros((L,), jnp.float32)
    )
    acc = (acc_lse, jnp.zeros((L,), jnp.float32))

    def pf(sc, slot, sem):
        off = sc * SCHUNK
        pltpu.async_copy(x_hbm.at[pl.ds(off, SCHUNK)], xv_v.at[slot], sem)
        pltpu.async_copy(t_hbm.at[pl.ds(off, SCHUNK)], tv_v.at[slot], sem)

    pf(0, 0, psem[0])
    pf(1, 1, psem[1])

    nblk_mine = jnp.where(wid < (NBLK % NW), NBLK // NW + 1, NBLK // NW)

    def block_step(bi, acc):
        blk = bi * NW + wid
        pltpu.sync_copy(wt_hbm.at[pl.ds(blk * 8, 8)], wt_v)
        blk8 = jnp.full((L,), 0, jnp.int32) + blk * 8
        rfill = [jnp.full((L,), r, jnp.int32) for r in range(8)]

        def group_step(g, acc2):
            for b in range(2):
                sc = g * 2 + b
                @pl.when(g >= 1)
                def _():
                    pltpu.make_async_copy(
                        tbuf_v.at[b],
                        out_hbm.at[pl.ds(blk * 8, 8), pl.ds(0, SCHUNK)],
                        wsem[b],
                    ).wait()
                pltpu.make_async_copy(
                    x_hbm.at[pl.ds(0, SCHUNK)], xv_v.at[b], psem[b]
                ).wait()
                pltpu.make_async_copy(
                    t_hbm.at[pl.ds(0, SCHUNK)], tv_v.at[b], psem[b]
                ).wait()

                @plsc.parallel_loop(0, SCHUNK // L, 1, unroll=4, carry=acc2)
                def k_loop(kk, acc3):
                    a0, a1 = acc3
                    xvv = xv_v[b, pl.ds(kk * L, L)]
                    tvv = tv_v[b, pl.ds(kk * L, L)]
                    for r in range(8):
                        v = plsc.load_gather(wt_v, [rfill[r], xvv])
                        tbuf_v[b, r, pl.ds(kk * L, L)] = v
                    tloc = tvv - blk8
                    m = (tloc >= 0) & (tloc < 8)
                    tcl = jnp.clip(tloc, 0, 7)
                    p = plsc.load_gather(wt_v, [tcl, xvv])
                    return (a0 - jnp.where(m, p, 0.0), a1)

                acc2 = k_loop
                pltpu.async_copy(
                    tbuf_v.at[b],
                    out_hbm.at[pl.ds(blk * 8, 8), pl.ds(sc * SCHUNK, SCHUNK)],
                    wsem[b],
                )
                pf(lax.rem(sc + 2, NSC), b, psem[b])
            return acc2

        acc = lax.fori_loop(0, NSC // 2, group_step, acc)
        for b in range(2):
            pltpu.make_async_copy(
                tbuf_v.at[b],
                out_hbm.at[pl.ds(blk * 8, 8), pl.ds(0, SCHUNK)],
                wsem[b],
            ).wait()
        return acc

    acc = lax.fori_loop(0, nblk_mine, block_step, acc)

    for b in range(2):
        pltpu.make_async_copy(
            x_hbm.at[pl.ds(0, SCHUNK)], xv_v.at[b], psem[b]
        ).wait()
        pltpu.make_async_copy(
            t_hbm.at[pl.ds(0, SCHUNK)], tv_v.at[b], psem[b]
        ).wait()
    lse_v[pl.ds(0, L)] = acc[0] + acc[1]
    pltpu.sync_copy(lse_v.at[pl.ds(0, L)], psum_hbm.at[pl.ds(wid * L, L)])


def kernel(x, targets, W):
    xf = x.reshape(-1)
    tf = targets.reshape(-1)
    w_pad = jnp.pad(W, ((0, VPAD - VOCAB), (0, 0)))
    lse = _row_lse(w_pad)
    wt_pad = jnp.pad(W.T, ((0, 0), (0, VPAD - VOCAB)))
    out_t, psums = _sc_gather(xf, tf, lse, wt_pad)
    loss = jnp.sum(psums) / jnp.float32(N)
    return (jnp.transpose(out_t), loss)

# --- scband reference (transcript-rebuilt; emitter-appended) ---
"""Pipeline reference for scband-bigram-language-model-27066883899550 (READ-ONLY COPY).

The authoritative reference and input builder live on the scoring server;
editing this copy changes nothing except your own understanding.
"""

import jax, jax.numpy as jnp
import numpy as np

VOCAB = 1000
B, T = 1024, 200


def setup_inputs(seed: int = 0) -> dict:
    key = jax.random.key(seed)
    k1, k2, k3 = jax.random.split(key, 3)
    x = jax.random.randint(k1, (B, T), 0, VOCAB, dtype=jnp.int64 if jax.config.jax_enable_x64 else jnp.int32).astype(jnp.int32)
    targets = jax.random.randint(k2, (B, T), 0, VOCAB, dtype=jnp.int32)
    W = jax.random.normal(k3, (VOCAB, VOCAB), dtype=jnp.float32) * 0.02
    return {"x": x, "targets": targets, "W": W}


def reference(x, targets, W):
    # logits = token_embedding(x)
    logits = jnp.take(W, x, axis=0)  # [B, T, C]
    Bs, Ts, C = logits.shape
    logits2 = logits.reshape(Bs * Ts, C)
    t = targets.reshape(Bs * Ts)
    # cross entropy: mean over all positions
    lse = jax.scipy.special.logsumexp(logits2, axis=-1)
    picked = jnp.take_along_axis(logits2, t[:, None], axis=-1)[:, 0]
    loss = jnp.mean(lse - picked)
    return (logits2, loss)

if __name__ == "__main__":
    import jax
    _d = setup_inputs()
    print(jax.jit(kernel)(*tuple(_d.values())))

</pallas_src>

<mosaic_0001>
#map = affine_map<(d0, d1) -> (0)>
#map1 = affine_map<(d0, d1) -> (0, 0)>
module attributes {stable_mosaic.version = 14 : i64} {
  func.func @_sc_gather(%arg0: i32, %arg1: i32, %arg2: memref<204800xi32, #tpu.memory_space<hbm>>, %arg3: memref<204800xi32, #tpu.memory_space<hbm>>, %arg4: memref<1024xf32, #tpu.memory_space<hbm>>, %arg5: memref<1000x1024xf32, #tpu.memory_space<hbm>>, %arg6: memref<1000x204800xf32, #tpu.memory_space<hbm>>, %arg7: memref<512xf32, #tpu.memory_space<hbm>>, %arg8: memref<6400xi32, #tpu.memory_space<vmem>>, %arg9: memref<1024xf32, #tpu.memory_space<vmem>>, %arg10: memref<8x1024xf32, #tpu.memory_space<vmem>>, %arg11: memref<2x4096xi32, #tpu.memory_space<vmem>>, %arg12: memref<2x4096xi32, #tpu.memory_space<vmem>>, %arg13: memref<2x8x4096xf32, #tpu.memory_space<vmem>>, %arg14: memref<!tpu.dma_semaphore, #tpu.memory_space<semaphore_mem>>, %arg15: memref<!tpu.dma_semaphore, #tpu.memory_space<semaphore_mem>>, %arg16: memref<!tpu.dma_semaphore, #tpu.memory_space<semaphore_mem>>, %arg17: memref<!tpu.dma_semaphore, #tpu.memory_space<semaphore_mem>>) attributes {dimension_semantics = [#tpu.dimension_semantics<core_parallel>, #tpu.dimension_semantics<subcore_parallel>], iteration_bounds = array<i64: 2, 16>, scalar_prefetch = 0 : i64, scratch_operands = 10 : i64, tpu.core_type = #tpu.core_type<sc_vector_subcore>, window_params = [{transform_indices = #map}, {transform_indices = #map}, {transform_indices = #map}, {transform_indices = #map1}, {transform_indices = #map1}, {transform_indices = #map}]} {
    %mul3A = arith.constant 2 : i32
    %mul3A_0 = arith.muli %arg1, %mul3A : i32
    %add3A = arith.addi %mul3A_0, %arg0 : i32
    %iota3A = tpu.iota {dimensions = array<i32: 0>} : vector<16xi32>
    %mul3A_1 = arith.constant 6400 : i32
    %mul3A_2 = arith.muli %add3A, %mul3A_1 : i32
    "tpu.region"() ({
      %run_scoped3A = tpu.sem_alloc : memref<!tpu.dma_semaphore, #tpu.memory_space<semaphore_mem>>
      %dma_start3A_113 = tpu.memref_slice %arg2[%mul3A_2] : memref<204800xi32, #tpu.memory_space<hbm>> -> memref<6400xi32, #tpu.memory_space<hbm>>
      %dma_start3A_114 = tpu.memref_slice %arg2[%mul3A_2] : memref<204800xi32, #tpu.memory_space<hbm>> -> memref<6400xi32, #tpu.memory_space<hbm>>
      tpu.enqueue_dma source(%dma_start3A_114 : memref<6400xi32, #tpu.memory_space<hbm>>) target(%arg8 : memref<6400xi32, #tpu.memory_space<vmem>>) target_semaphore(%run_scoped3A : memref<!tpu.dma_semaphore, #tpu.memory_space<semaphore_mem>>)
      %dma_wait3A_115 = tpu.memref_slice %arg2[%mul3A_2] : memref<204800xi32, #tpu.memory_space<hbm>> -> memref<6400xi32, #tpu.memory_space<hbm>>
      %dma_wait3A_116 = tpu.memref_slice %arg2[%mul3A_2] : memref<204800xi32, #tpu.memory_space<hbm>> -> memref<6400xi32, #tpu.memory_space<hbm>>
      tpu.wait_dma2 semaphore(%run_scoped3A : memref<!tpu.dma_semaphore, #tpu.memory_space<semaphore_mem>>) src(%dma_wait3A_116 : memref<6400xi32, #tpu.memory_space<hbm>>) dst(%arg8 : memref<6400xi32, #tpu.memory_space<vmem>>)
      tpu.yield
    }) : () -> ()
    "tpu.region"() ({
      %run_scoped3A = tpu.sem_alloc : memref<!tpu.dma_semaphore, #tpu.memory_space<semaphore_mem>>
      tpu.enqueue_dma source(%arg4 : memref<1024xf32, #tpu.memory_space<hbm>>) target(%arg9 : memref<1024xf32, #tpu.memory_space<vmem>>) target_semaphore(%run_scoped3A : memref<!tpu.dma_semaphore, #tpu.memory_space<semaphore_mem>>)
      tpu.wait_dma2 semaphore(%run_scoped3A : memref<!tpu.dma_semaphore, #tpu.memory_space<semaphore_mem>>) src(%arg4 : memref<1024xf32, #tpu.memory_space<hbm>>) dst(%arg9 : memref<1024xf32, #tpu.memory_space<vmem>>)
      tpu.yield
    }) : () -> ()
    %broadcast_in_dim3A = arith.constant 0.000000e+00 : f32
    %broadcast_in_dim3A_3 = vector.broadcast %broadcast_in_dim3A : f32 to vector<16xf32>
    %scan3A = arith.constant 0 : i32
    %scan3A_4 = arith.constant 400 : i32
    %scan3A_5 = arith.addi %scan3A, %scan3A_4 : i32
    %scan3A_6 = arith.constant 1 : i32
    %scan3A_7 = scf.for %scan3A_113 = %scan3A to %scan3A_5 step %scan3A_6 iter_args(%scan3A_114 = %broadcast_in_dim3A_3) -> (vector<16xf32>)  : i32 {
      %mul3A_115 = arith.constant 16 : i32
      %mul3A_116 = arith.muli %scan3A_113, %mul3A_115 : i32
      %get3A = arith.index_cast %mul3A_116 : i32 to index
      %get3A_117 = tpu.vector_load %arg8[%get3A] {strides = array<i32>} : memref<6400xi32, #tpu.memory_space<vmem>>, vector<16xi32>,
      %gather3A = tpu.vector_load_idx %arg9[%get3A_117] : memref<1024xf32, #tpu.memory_space<vmem>>[vector<16xi32>], vector<16xf32>,
      %add3A_118 = arith.addf %scan3A_114, %gather3A : vector<16xf32>
      scf.yield %add3A_118 : vector<16xf32>
    }
    %scan3A_8 = arith.constant 400 : i32
    %broadcast_in_dim3A_9 = arith.constant 0.000000e+00 : f32
    %broadcast_in_dim3A_10 = vector.broadcast %broadcast_in_dim3A_9 : f32 to vector<16xf32>
    %dma_start3A = arith.constant 0 : i32
    %dma_start3A_11 = arith.constant 0 : i32
    %dma_start3A_12 = tpu.memref_slice %arg11[%dma_start3A, %dma_start3A_11] : memref<2x4096xi32, #tpu.memory_space<vmem>> -> memref<1x4096xi32, #tpu.memory_space<vmem>>
    %dma_start3A_13 = tpu.memref_squeeze %dma_start3A_12 : memref<1x4096xi32, #tpu.memory_space<vmem>> -> memref<4096xi32, #tpu.memory_space<vmem>>
    %dma_start3A_14 = arith.constant 0 : i32
    %dma_start3A_15 = tpu.memref_slice %arg2[%dma_start3A_14] : memref<204800xi32, #tpu.memory_space<hbm>> -> memref<4096xi32, #tpu.memory_space<hbm>>
    %dma_start3A_16 = arith.constant 0 : i32
    %dma_start3A_17 = tpu.memref_slice %arg11[%dma_start3A, %dma_start3A_16] : memref<2x4096xi32, #tpu.memory_space<vmem>> -> memref<1x4096xi32, #tpu.memory_space<vmem>>
    %dma_start3A_18 = tpu.memref_squeeze %dma_start3A_17 : memref<1x4096xi32, #tpu.memory_space<vmem>> -> memref<4096xi32, #tpu.memory_space<vmem>>
    %dma_start3A_19 = arith.constant 0 : i32
    %dma_start3A_20 = tpu.memref_slice %arg2[%dma_start3A_19] : memref<204800xi32, #tpu.memory_space<hbm>> -> memref<4096xi32, #tpu.memory_space<hbm>>
    tpu.enqueue_dma source(%dma_start3A_20 : memref<4096xi32, #tpu.memory_space<hbm>>) target(%dma_start3A_18 : memref<4096xi32, #tpu.memory_space<vmem>>) target_semaphore(%arg14 : memref<!tpu.dma_semaphore, #tpu.memory_space<semaphore_mem>>)
    %dma_start3A_21 = arith.constant 0 : i32
    %dma_start3A_22 = arith.constant 0 : i32
    %dma_start3A_23 = tpu.memref_slice %arg12[%dma_start3A_21, %dma_start3A_22] : memref<2x4096xi32, #tpu.memory_space<vmem>> -> memref<1x4096xi32, #tpu.memory_space<vmem>>
    %dma_start3A_24 = tpu.memref_squeeze %dma_start3A_23 : memref<1x4096xi32, #tpu.memory_space<vmem>> -> memref<4096xi32, #tpu.memory_space<vmem>>
    %dma_start3A_25 = arith.constant 0 : i32
    %dma_start3A_26 = tpu.memref_slice %arg3[%dma_start3A_25] : memref<204800xi32, #tpu.memory_space<hbm>> -> memref<4096xi32, #tpu.memory_space<hbm>>
    %dma_start3A_27 = arith.constant 0 : i32
    %dma_start3A_28 = tpu.memref_slice %arg12[%dma_start3A_21, %dma_start3A_27] : memref<2x4096xi32, #tpu.memory_space<vmem>> -> memref<1x4096xi32, #tpu.memory_space<vmem>>
    %dma_start3A_29 = tpu.memref_squeeze %dma_start3A_28 : memref<1x4096xi32, #tpu.memory_space<vmem>> -> memref<4096xi32, #tpu.memory_space<vmem>>
    %dma_start3A_30 = arith.constant 0 : i32
    %dma_start3A_31 = tpu.memref_slice %arg3[%dma_start3A_30] : memref<204800xi32, #tpu.memory_space<hbm>> -> memref<4096xi32, #tpu.memory_space<hbm>>
    tpu.enqueue_dma source(%dma_start3A_31 : memref<4096xi32, #tpu.memory_space<hbm>>) target(%dma_start3A_29 : memref<4096xi32, #tpu.memory_space<vmem>>) target_semaphore(%arg14 : memref<!tpu.dma_semaphore, #tpu.memory_space<semaphore_mem>>)
    %dma_start3A_32 = arith.constant 1 : i32
    %dma_start3A_33 = arith.constant 0 : i32
    %dma_start3A_34 = tpu.memref_slice %arg11[%dma_start3A_32, %dma_start3A_33] : memref<2x4096xi32, #tpu.memory_space<vmem>> -> memref<1x4096xi32, #tpu.memory_space<vmem>>
    %dma_start3A_35 = tpu.memref_squeeze %dma_start3A_34 : memref<1x4096xi32, #tpu.memory_space<vmem>> -> memref<4096xi32, #tpu.memory_space<vmem>>
    %dma_start3A_36 = arith.constant 4096 : i32
    %dma_start3A_37 = tpu.memref_slice %arg2[%dma_start3A_36] : memref<204800xi32, #tpu.memory_space<hbm>> -> memref<4096xi32, #tpu.memory_space<hbm>>
    %dma_start3A_38 = arith.constant 0 : i32
    %dma_start3A_39 = tpu.memref_slice %arg11[%dma_start3A_32, %dma_start3A_38] : memref<2x4096xi32, #tpu.memory_space<vmem>> -> memref<1x4096xi32, #tpu.memory_space<vmem>>
    %dma_start3A_40 = tpu.memref_squeeze %dma_start3A_39 : memref<1x4096xi32, #tpu.memory_space<vmem>> -> memref<4096xi32, #tpu.memory_space<vmem>>
    %dma_start3A_41 = arith.constant 4096 : i32
    %dma_start3A_42 = tpu.memref_slice %arg2[%dma_start3A_41] : memref<204800xi32, #tpu.memory_space<hbm>> -> memref<4096xi32, #tpu.memory_space<hbm>>
    tpu.enqueue_dma source(%dma_start3A_42 : memref<4096xi32, #tpu.memory_space<hbm>>) target(%dma_start3A_40 : memref<4096xi32, #tpu.memory_space<vmem>>) target_semaphore(%arg15 : memref<!tpu.dma_semaphore, #tpu.memory_space<semaphore_mem>>)
    %dma_start3A_43 = arith.constant 1 : i32
    %dma_start3A_44 = arith.constant 0 : i32
    %dma_start3A_45 = tpu.memref_slice %arg12[%dma_start3A_43, %dma_start3A_44] : memref<2x4096xi32, #tpu.memory_space<vmem>> -> memref<1x4096xi32, #tpu.memory_space<vmem>>
    %dma_start3A_46 = tpu.memref_squeeze %dma_start3A_45 : memref<1x4096xi32, #tpu.memory_space<vmem>> -> memref<4096xi32, #tpu.memory_space<vmem>>
    %dma_start3A_47 = arith.constant 4096 : i32
    %dma_start3A_48 = tpu.memref_slice %arg3[%dma_start3A_47] : memref<204800xi32, #tpu.memory_space<hbm>> -> memref<4096xi32, #tpu.memory_space<hbm>>
    %dma_start3A_49 = arith.constant 0 : i32
    %dma_start3A_50 = tpu.memref_slice %arg12[%dma_start3A_43, %dma_start3A_49] : memref<2x4096xi32, #tpu.memory_space<vmem>> -> memref<1x4096xi32, #tpu.memory_space<vmem>>
    %dma_start3A_51 = tpu.memref_squeeze %dma_start3A_50 : memref<1x4096xi32, #tpu.memory_space<vmem>> -> memref<4096xi32, #tpu.memory_space<vmem>>
    %dma_start3A_52 = arith.constant 4096 : i32
    %dma_start3A_53 = tpu.memref_slice %arg3[%dma_start3A_52] : memref<204800xi32, #tpu.memory_space<hbm>> -> memref<4096xi32, #tpu.memory_space<hbm>>
    tpu.enqueue_dma source(%dma_start3A_53 : memref<4096xi32, #tpu.memory_space<hbm>>) target(%dma_start3A_51 : memref<4096xi32, #tpu.memory_space<vmem>>) target_semaphore(%arg15 : memref<!tpu.dma_semaphore, #tpu.memory_space<semaphore_mem>>)
    %lt3A = arith.constant 29 : i32
    %lt3A_54 = arith.cmpi slt, %add3A, %lt3A : i32
    %jit3A = arith.constant 4 : i32
    %jit3A_55 = arith.constant 3 : i32
    %select_n3A = arith.select %lt3A_54, %jit3A, %jit3A_55 : i32
    %while3A = arith.constant 0 : i32
    %while3A_56 = arith.subi %select_n3A, %while3A : i32
    %while3A_57 = arith.addi %while3A, %while3A_56 : i32
    %while3A_58 = arith.constant 1 : i32
    %while3A_59 = arith.divsi %while3A_56, %while3A_58 : i32
    %while3A_60 = arith.muli %while3A_59, %while3A_58 : i32
    %while3A_61 = arith.addi %while3A, %while3A_60 : i32
    %while3A_62 = arith.constant 1 : i32
    %while3A_63:2 = scf.for %while3A_113 = %while3A to %while3A_61 step %while3A_62 iter_args(%while3A_114 = %scan3A_7, %while3A_115 = %broadcast_in_dim3A_10) -> (vector<16xf32>, vector<16xf32>)  : i32 {
      %mul3A_116 = arith.constant 32 : i32
      %mul3A_117 = arith.muli %while3A_113, %mul3A_116 : i32
      %add3A_118 = arith.addi %mul3A_117, %add3A : i32
      %mul3A_119 = arith.constant 8 : i32
      %mul3A_120 = arith.muli %add3A_118, %mul3A_119 : i32
      "tpu.region"() ({
        %run_scoped3A = tpu.sem_alloc : memref<!tpu.dma_semaphore, #tpu.memory_space<semaphore_mem>>
        %dma_start3A_179 = arith.constant 0 : i32
        %dma_start3A_180 = tpu.memref_slice %arg5[%mul3A_120, %dma_start3A_179] : memref<1000x1024xf32, #tpu.memory_space<hbm>> -> memref<8x1024xf32, #tpu.memory_space<hbm>>
        %dma_start3A_181 = arith.constant 0 : i32
        %dma_start3A_182 = tpu.memref_slice %arg5[%mul3A_120, %dma_start3A_181] : memref<1000x1024xf32, #tpu.memory_space<hbm>> -> memref<8x1024xf32, #tpu.memory_space<hbm>>
        tpu.enqueue_dma source(%dma_start3A_182 : memref<8x1024xf32, #tpu.memory_space<hbm>>) target(%arg10 : memref<8x1024xf32, #tpu.memory_space<vmem>>) target_semaphore(%run_scoped3A : memref<!tpu.dma_semaphore, #tpu.memory_space<semaphore_mem>>)
        %dma_wait3A_183 = arith.constant 0 : i32
        %dma_wait3A_184 = tpu.memref_slice %arg5[%mul3A_120, %dma_wait3A_183] : memref<1000x1024xf32, #tpu.memory_space<hbm>> -> memref<8x1024xf32, #tpu.memory_space<hbm>>
        %dma_wait3A_185 = arith.constant 0 : i32
        %dma_wait3A_186 = tpu.memref_slice %arg5[%mul3A_120, %dma_wait3A_185] : memref<1000x1024xf32, #tpu.memory_space<hbm>> -> memref<8x1024xf32, #tpu.memory_space<hbm>>
        tpu.wait_dma2 semaphore(%run_scoped3A : memref<!tpu.dma_semaphore, #tpu.memory_space<semaphore_mem>>) src(%dma_wait3A_186 : memref<8x1024xf32, #tpu.memory_space<hbm>>) dst(%arg10 : memref<8x1024xf32, #tpu.memory_space<vmem>>)
        tpu.yield
      }) : () -> ()
      %broadcast_in_dim3A_121 = arith.constant 0 : i32
      %broadcast_in_dim3A_122 = vector.broadcast %broadcast_in_dim3A_121 : i32 to vector<16xi32>
      %mul3A_123 = arith.constant 8 : i32
      %mul3A_124 = arith.muli %add3A_118, %mul3A_123 : i32
      %add3A_125 = vector.broadcast %mul3A_124 : i32 to vector<16xi32>
      %add3A_126 = arith.addi %broadcast_in_dim3A_122, %add3A_125 : vector<16xi32>
      %broadcast_in_dim3A_127 = arith.constant 0 : i32
      %broadcast_in_dim3A_128 = vector.broadcast %broadcast_in_dim3A_127 : i32 to vector<16xi32>
      %broadcast_in_dim3A_129 = arith.constant 1 : i32
      %broadcast_in_dim3A_130 = vector.broadcast %broadcast_in_dim3A_129 : i32 to vector<16xi32>
      %broadcast_in_dim3A_131 = arith.constant 2 : i32
      %broadcast_in_dim3A_132 = vector.broadcast %broadcast_in_dim3A_131 : i32 to vector<16xi32>
      %broadcast_in_dim3A_133 = arith.constant 3 : i32
      %broadcast_in_dim3A_134 = vector.broadcast %broadcast_in_dim3A_133 : i32 to vector<16xi32>
      %broadcast_in_dim3A_135 = arith.constant 4 : i32
      %broadcast_in_dim3A_136 = vector.broadcast %broadcast_in_dim3A_135 : i32 to vector<16xi32>
      %broadcast_in_dim3A_137 = arith.constant 5 : i32
      %broadcast_in_dim3A_138 = vector.broadcast %broadcast_in_dim3A_137 : i32 to vector<16xi32>
      %broadcast_in_dim3A_139 = arith.constant 6 : i32
      %broadcast_in_dim3A_140 = vector.broadcast %broadcast_in_dim3A_139 : i32 to vector<16xi32>
      %broadcast_in_dim3A_141 = arith.constant 7 : i32
      %broadcast_in_dim3A_142 = vector.broadcast %broadcast_in_dim3A_141 : i32 to vector<16xi32>
      %scan3A_143 = arith.constant 0 : i32
      %scan3A_144 = arith.constant 25 : i32
      %scan3A_145 = arith.addi %scan3A_143, %scan3A_144 : i32
      %scan3A_146 = arith.constant 1 : i32
      %scan3A_147:2 = scf.for %scan3A_179 = %scan3A_143 to %scan3A_145 step %scan3A_146 iter_args(%scan3A_180 = %while3A_114, %scan3A_181 = %while3A_115) -> (vector<16xf32>, vector<16xf32>)  : i32 {
        %mul3A_182 = arith.constant 2 : i32
        %mul3A_183 = arith.muli %scan3A_179, %mul3A_182 : i32
        %add3A_184 = arith.constant 0 : i32
        %add3A_185 = arith.addi %mul3A_183, %add3A_184 : i32
        %ge3A = arith.constant 1 : i32
        %ge3A_186 = arith.cmpi sge, %scan3A_179, %ge3A : i32
        %convert_element_type3A = arith.extui %ge3A_186 : i1 to i32
        %cond3A = arith.constant 0 : i32
        %cond3A_187 = arith.cmpi ne, %convert_element_type3A, %cond3A : i32
        scf.if %cond3A_187 {
          %mul3A_325 = arith.constant 8 : i32
          %mul3A_326 = arith.muli %add3A_118, %mul3A_325 : i32
          %dma_wait3A_327 = arith.constant 0 : i32
          %dma_wait3A_328 = arith.constant 0 : i32
          %dma_wait3A_329 = arith.constant 0 : i32
          %dma_wait3A_330 = tpu.memref_slice %arg13[%dma_wait3A_327, %dma_wait3A_328, %dma_wait3A_329] : memref<2x8x4096xf32, #tpu.memory_space<vmem>> -> memref<1x8x4096xf32, #tpu.memory_space<vmem>>
          %dma_wait3A_331 = tpu.memref_squeeze %dma_wait3A_330 : memref<1x8x4096xf32, #tpu.memory_space<vmem>> -> memref<8x4096xf32, #tpu.memory_space<vmem>>
          %dma_wait3A_332 = arith.constant 0 : i32
          %dma_wait3A_333 = tpu.memref_slice %arg6[%mul3A_326, %dma_wait3A_332] : memref<1000x204800xf32, #tpu.memory_space<hbm>> -> memref<8x4096xf32, #tpu.memory_space<hbm>>
          %dma_wait3A_334 = arith.constant 0 : i32
          %dma_wait3A_335 = tpu.memref_slice %arg6[%mul3A_326, %dma_wait3A_334] : memref<1000x204800xf32, #tpu.memory_space<hbm>> -> memref<8x4096xf32, #tpu.memory_space<hbm>>
          %dma_wait3A_336 = arith.constant 0 : i32
          %dma_wait3A_337 = arith.constant 0 : i32
          %dma_wait3A_338 = tpu.memref_slice %arg13[%dma_wait3A_327, %dma_wait3A_336, %dma_wait3A_337] : memref<2x8x4096xf32, #tpu.memory_space<vmem>> -> memref<1x8x4096xf32, #tpu.memory_space<vmem>>
          %dma_wait3A_339 = tpu.memref_squeeze %dma_wait3A_338 : memref<1x8x4096xf32, #tpu.memory_space<vmem>> -> memref<8x4096xf32, #tpu.memory_space<vmem>>
          tpu.wait_dma2 semaphore(%arg16 : memref<!tpu.dma_semaphore, #tpu.memory_space<semaphore_mem>>) src(%dma_wait3A_339 : memref<8x4096xf32, #tpu.memory_space<vmem>>) dst(%dma_wait3A_335 : memref<8x4096xf32, #tpu.memory_space<hbm>>)
        } else {
        }
        %dma_wait3A_188 = arith.constant 0 : i32
        %dma_wait3A_189 = arith.constant 0 : i32
        %dma_wait3A_190 = tpu.memref_slice %arg11[%dma_wait3A_188, %dma_wait3A_189] : memref<2x4096xi32, #tpu.memory_space<vmem>> -> memref<1x4096xi32, #tpu.memory_space<vmem>>
        %dma_wait3A_191 = tpu.memref_squeeze %dma_wait3A_190 : memref<1x4096xi32, #tpu.memory_space<vmem>> -> memref<4096xi32, #tpu.memory_space<vmem>>
        %dma_wait3A_192 = arith.constant 0 : i32
        %dma_wait3A_193 = tpu.memref_slice %arg2[%dma_wait3A_192] : memref<204800xi32, #tpu.memory_space<hbm>> -> memref<4096xi32, #tpu.memory_space<hbm>>
        %dma_wait3A_194 = arith.constant 0 : i32
        %dma_wait3A_195 = tpu.memref_slice %arg11[%dma_wait3A_188, %dma_wait3A_194] : memref<2x4096xi32, #tpu.memory_space<vmem>> -> memref<1x4096xi32, #tpu.memory_space<vmem>>
        %dma_wait3A_196 = tpu.memref_squeeze %dma_wait3A_195 : memref<1x4096xi32, #tpu.memory_space<vmem>> -> memref<4096xi32, #tpu.memory_space<vmem>>
        %dma_wait3A_197 = arith.constant 0 : i32
        %dma_wait3A_198 = tpu.memref_slice %arg2[%dma_wait3A_197] : memref<204800xi32, #tpu.memory_space<hbm>> -> memref<4096xi32, #tpu.memory_space<hbm>>
        tpu.wait_dma2 semaphore(%arg14 : memref<!tpu.dma_semaphore, #tpu.memory_space<semaphore_mem>>) src(%dma_wait3A_198 : memref<4096xi32, #tpu.memory_space<hbm>>) dst(%dma_wait3A_196 : memref<4096xi32, #tpu.memory_space<vmem>>)
        %dma_wait3A_199 = arith.constant 0 : i32
        %dma_wait3A_200 = arith.constant 0 : i32
        %dma_wait3A_201 = tpu.memref_slice %arg12[%dma_wait3A_199, %dma_wait3A_200] : memref<2x4096xi32, #tpu.memory_space<vmem>> -> memref<1x4096xi32, #tpu.memory_space<vmem>>
        %dma_wait3A_202 = tpu.memref_squeeze %dma_wait3A_201 : memref<1x4096xi32, #tpu.memory_space<vmem>> -> memref<4096xi32, #tpu.memory_space<vmem>>
        %dma_wait3A_203 = arith.constant 0 : i32
        %dma_wait3A_204 = tpu.memref_slice %arg3[%dma_wait3A_203] : memref<204800xi32, #tpu.memory_space<hbm>> -> memref<4096xi32, #tpu.memory_space<hbm>>
        %dma_wait3A_205 = arith.constant 0 : i32
        %dma_wait3A_206 = tpu.memref_slice %arg12[%dma_wait3A_199, %dma_wait3A_205] : memref<2x4096xi32, #tpu.memory_space<vmem>> -> memref<1x4096xi32, #tpu.memory_space<vmem>>
        %dma_wait3A_207 = tpu.memref_squeeze %dma_wait3A_206 : memref<1x4096xi32, #tpu.memory_space<vmem>> -> memref<4096xi32, #tpu.memory_space<vmem>>
        %dma_wait3A_208 = arith.constant 0 : i32
        %dma_wait3A_209 = tpu.memref_slice %arg3[%dma_wait3A_208] : memref<204800xi32, #tpu.memory_space<hbm>> -> memref<4096xi32, #tpu.memory_space<hbm>>
        tpu.wait_dma2 semaphore(%arg14 : memref<!tpu.dma_semaphore, #tpu.memory_space<semaphore_mem>>) src(%dma_wait3A_209 : memref<4096xi32, #tpu.memory_space<hbm>>) dst(%dma_wait3A_207 : memref<4096xi32, #tpu.memory_space<vmem>>)
        %parallel_loop3A = arith.constant 0 : i32
        %parallel_loop3A_210 = arith.constant 256 : i32
        %parallel_loop3A_211 = arith.constant 1 : i32
        %parallel_loop3A_212:2 = scf.for %parallel_loop3A_325 = %parallel_loop3A to %parallel_loop3A_210 step %parallel_loop3A_211 iter_args(%parallel_loop3A_326 = %scan3A_180, %parallel_loop3A_327 = %scan3A_181) -> (vector<16xf32>, vector<16xf32>)  : i32 {
          %parallel_loop3A_328 = arith.constant 16 : i32
          %parallel_loop3A_329 = arith.muli %parallel_loop3A_325, %parallel_loop3A_328 : i32
          %parallel_loop3A_330 = arith.constant 0 : i32
          %parallel_loop3A_331 = arith.index_cast %parallel_loop3A_330 : i32 to index
          %parallel_loop3A_332 = arith.index_cast %parallel_loop3A_329 : i32 to index
          %parallel_loop3A_333 = tpu.vector_load %arg11[%parallel_loop3A_331, %parallel_loop3A_332] {strides = array<i32>} : memref<2x4096xi32, #tpu.memory_space<vmem>>, vector<16xi32>,
          %parallel_loop3A_334 = arith.constant 16 : i32
          %parallel_loop3A_335 = arith.muli %parallel_loop3A_325, %parallel_loop3A_334 : i32
          %parallel_loop3A_336 = arith.constant 0 : i32
          %parallel_loop3A_337 = arith.index_cast %parallel_loop3A_336 : i32 to index
          %parallel_loop3A_338 = arith.index_cast %parallel_loop3A_335 : i32 to index
          %parallel_loop3A_339 = tpu.vector_load %arg12[%parallel_loop3A_337, %parallel_loop3A_338] {strides = array<i32>} : memref<2x4096xi32, #tpu.memory_space<vmem>>, vector<16xi32>,
          %parallel_loop3A_340 = tpu.vector_load_idx %arg10[%broadcast_in_dim3A_128, %parallel_loop3A_333] : memref<8x1024xf32, #tpu.memory_space<vmem>>[vector<16xi32>, vector<16xi32>], vector<16xf32>,
          %parallel_loop3A_341 = arith.constant 16 : i32
          %parallel_loop3A_342 = arith.muli %parallel_loop3A_325, %parallel_loop3A_341 : i32
          %parallel_loop3A_343 = arith.constant 0 : i32
          %parallel_loop3A_344 = arith.constant 0 : i32
          %parallel_loop3A_345 = arith.index_cast %parallel_loop3A_343 : i32 to index
          %parallel_loop3A_346 = arith.index_cast %parallel_loop3A_344 : i32 to index
          %parallel_loop3A_347 = arith.index_cast %parallel_loop3A_342 : i32 to index
          %parallel_loop3A_348 = tpu.vector_load %arg13[%parallel_loop3A_345, %parallel_loop3A_346, %parallel_loop3A_347] {strides = array<i32>} : memref<2x8x4096xf32, #tpu.memory_space<vmem>>, vector<16xf32>,
          tpu.vector_store %arg13[%parallel_loop3A_345, %parallel_loop3A_346, %parallel_loop3A_347], %parallel_loop3A_340 {strides = array<i32>} : memref<2x8x4096xf32, #tpu.memory_space<vmem>>, vector<16xf32>,
          %parallel_loop3A_349 = tpu.vector_load_idx %arg10[%broadcast_in_dim3A_130, %parallel_loop3A_333] : memref<8x1024xf32, #tpu.memory_space<vmem>>[vector<16xi32>, vector<16xi32>], vector<16xf32>,
          %parallel_loop3A_350 = arith.constant 16 : i32
          %parallel_loop3A_351 = arith.muli %parallel_loop3A_325, %parallel_loop3A_350 : i32
          %parallel_loop3A_352 = arith.constant 0 : i32
          %parallel_loop3A_353 = arith.constant 1 : i32
          %parallel_loop3A_354 = arith.index_cast %parallel_loop3A_352 : i32 to index
          %parallel_loop3A_355 = arith.index_cast %parallel_loop3A_353 : i32 to index
          %parallel_loop3A_356 = arith.index_cast %parallel_loop3A_351 : i32 to index
          %parallel_loop3A_357 = tpu.vector_load %arg13[%parallel_loop3A_354, %parallel_loop3A_355, %parallel_loop3A_356] {strides = array<i32>} : memref<2x8x4096xf32, #tpu.memory_space<vmem>>, vector<16xf32>,
          tpu.vector_store %arg13[%parallel_loop3A_354, %parallel_loop3A_355, %parallel_loop3A_356], %parallel_loop3A_349 {strides = array<i32>} : memref<2x8x4096xf32, #tpu.memory_space<vmem>>, vector<16xf32>,
          %parallel_loop3A_358 = tpu.vector_load_idx %arg10[%broadcast_in_dim3A_132, %parallel_loop3A_333] : memref<8x1024xf32, #tpu.memory_space<vmem>>[vector<16xi32>, vector<16xi32>], vector<16xf32>,
          %parallel_loop3A_359 = arith.constant 16 : i32
          %parallel_loop3A_360 = arith.muli %parallel_loop3A_325, %parallel_loop3A_359 : i32
          %parallel_loop3A_361 = arith.constant 0 : i32
          %parallel_loop3A_362 = arith.constant 2 : i32
          %parallel_loop3A_363 = arith.index_cast %parallel_loop3A_361 : i32 to index
          %parallel_loop3A_364 = arith.index_cast %parallel_loop3A_362 : i32 to index
          %parallel_loop3A_365 = arith.index_cast %parallel_loop3A_360 : i32 to index
          %parallel_loop3A_366 = tpu.vector_load %arg13[%parallel_loop3A_363, %parallel_loop3A_364, %parallel_loop3A_365] {strides = array<i32>} : memref<2x8x4096xf32, #tpu.memory_space<vmem>>, vector<16xf32>,
          tpu.vector_store %arg13[%parallel_loop3A_363, %parallel_loop3A_364, %parallel_loop3A_365], %parallel_loop3A_358 {strides = array<i32>} : memref<2x8x4096xf32, #tpu.memory_space<vmem>>, vector<16xf32>,
          %parallel_loop3A_367 = tpu.vector_load_idx %arg10[%broadcast_in_dim3A_134, %parallel_loop3A_333] : memref<8x1024xf32, #tpu.memory_space<vmem>>[vector<16xi32>, vector<16xi32>], vector<16xf32>,
          %parallel_loop3A_368 = arith.constant 16 : i32
          %parallel_loop3A_369 = arith.muli %parallel_loop3A_325, %parallel_loop3A_368 : i32
          %parallel_loop3A_370 = arith.constant 0 : i32
          %parallel_loop3A_371 = arith.constant 3 : i32
          %parallel_loop3A_372 = arith.index_cast %parallel_loop3A_370 : i32 to index
          %parallel_loop3A_373 = arith.index_cast %parallel_loop3A_371 : i32 to index
          %parallel_loop3A_374 = arith.index_cast %parallel_loop3A_369 : i32 to index
          %parallel_loop3A_375 = tpu.vector_load %arg13[%parallel_loop3A_372, %parallel_loop3A_373, %parallel_loop3A_374] {strides = array<i32>} : memref<2x8x4096xf32, #tpu.memory_space<vmem>>, vector<16xf32>,
          tpu.vector_store %arg13[%parallel_loop3A_372, %parallel_loop3A_373, %parallel_loop3A_374], %parallel_loop3A_367 {strides = array<i32>} : memref<2x8x4096xf32, #tpu.memory_space<vmem>>, vector<16xf32>,
          %parallel_loop3A_376 = tpu.vector_load_idx %arg10[%broadcast_in_dim3A_136, %parallel_loop3A_333] : memref<8x1024xf32, #tpu.memory_space<vmem>>[vector<16xi32>, vector<16xi32>], vector<16xf32>,
          %parallel_loop3A_377 = arith.constant 16 : i32
          %parallel_loop3A_378 = arith.muli %parallel_loop3A_325, %parallel_loop3A_377 : i32
          %parallel_loop3A_379 = arith.constant 0 : i32
          %parallel_loop3A_380 = arith.constant 4 : i32
          %parallel_loop3A_381 = arith.index_cast %parallel_loop3A_379 : i32 to index
          %parallel_loop3A_382 = arith.index_cast %parallel_loop3A_380 : i32 to index
          %parallel_loop3A_383 = arith.index_cast %parallel_loop3A_378 : i32 to index
          %parallel_loop3A_384 = tpu.vector_load %arg13[%parallel_loop3A_381, %parallel_loop3A_382, %parallel_loop3A_383] {strides = array<i32>} : memref<2x8x4096xf32, #tpu.memory_space<vmem>>, vector<16xf32>,
          tpu.vector_store %arg13[%parallel_loop3A_381, %parallel_loop3A_382, %parallel_loop3A_383], %parallel_loop3A_376 {strides = array<i32>} : memref<2x8x4096xf32, #tpu.memory_space<vmem>>, vector<16xf32>,
          %parallel_loop3A_385 = tpu.vector_load_idx %arg10[%broadcast_in_dim3A_138, %parallel_loop3A_333] : memref<8x1024xf32, #tpu.memory_space<vmem>>[vector<16xi32>, vector<16xi32>], vector<16xf32>,
          %parallel_loop3A_386 = arith.constant 16 : i32
          %parallel_loop3A_387 = arith.muli %parallel_loop3A_325, %parallel_loop3A_386 : i32
          %parallel_loop3A_388 = arith.constant 0 : i32
          %parallel_loop3A_389 = arith.constant 5 : i32
          %parallel_loop3A_390 = arith.index_cast %parallel_loop3A_388 : i32 to index
          %parallel_loop3A_391 = arith.index_cast %parallel_loop3A_389 : i32 to index
          %parallel_loop3A_392 = arith.index_cast %parallel_loop3A_387 : i32 to index
          %parallel_loop3A_393 = tpu.vector_load %arg13[%parallel_loop3A_390, %parallel_loop3A_391, %parallel_loop3A_392] {strides = array<i32>} : memref<2x8x4096xf32, #tpu.memory_space<vmem>>, vector<16xf32>,
          tpu.vector_store %arg13[%parallel_loop3A_390, %parallel_loop3A_391, %parallel_loop3A_392], %parallel_loop3A_385 {strides = array<i32>} : memref<2x8x4096xf32, #tpu.memory_space<vmem>>, vector<16xf32>,
          %parallel_loop3A_394 = tpu.vector_load_idx %arg10[%broadcast_in_dim3A_140, %parallel_loop3A_333] : memref<8x1024xf32, #tpu.memory_space<vmem>>[vector<16xi32>, vector<16xi32>], vector<16xf32>,
          %parallel_loop3A_395 = arith.constant 16 : i32
          %parallel_loop3A_396 = arith.muli %parallel_loop3A_325, %parallel_loop3A_395 : i32
          %parallel_loop3A_397 = arith.constant 0 : i32
          %parallel_loop3A_398 = arith.constant 6 : i32
          %parallel_loop3A_399 = arith.index_cast %parallel_loop3A_397 : i32 to index
          %parallel_loop3A_400 = arith.index_cast %parallel_loop3A_398 : i32 to index
          %parallel_loop3A_401 = arith.index_cast %parallel_loop3A_396 : i32 to index
          %parallel_loop3A_402 = tpu.vector_load %arg13[%parallel_loop3A_399, %parallel_loop3A_400, %parallel_loop3A_401] {strides = array<i32>} : memref<2x8x4096xf32, #tpu.memory_space<vmem>>, vector<16xf32>,
          tpu.vector_store %arg13[%parallel_loop3A_399, %parallel_loop3A_400, %parallel_loop3A_401], %parallel_loop3A_394 {strides = array<i32>} : memref<2x8x4096xf32, #tpu.memory_space<vmem>>, vector<16xf32>,
          %parallel_loop3A_403 = tpu.vector_load_idx %arg10[%broadcast_in_dim3A_142, %parallel_loop3A_333] : memref<8x1024xf32, #tpu.memory_space<vmem>>[vector<16xi32>, vector<16xi32>], vector<16xf32>,
          %parallel_loop3A_404 = arith.constant 16 : i32
          %parallel_loop3A_405 = arith.muli %parallel_loop3A_325, %parallel_loop3A_404 : i32
          %parallel_loop3A_406 = arith.constant 0 : i32
          %parallel_loop3A_407 = arith.constant 7 : i32
          %parallel_loop3A_408 = arith.index_cast %parallel_loop3A_406 : i32 to index
          %parallel_loop3A_409 = arith.index_cast %parallel_loop3A_407 : i32 to index
          %parallel_loop3A_410 = arith.index_cast %parallel_loop3A_405 : i32 to index
          %parallel_loop3A_411 = tpu.vector_load %arg13[%parallel_loop3A_408, %parallel_loop3A_409, %parallel_loop3A_410] {strides = array<i32>} : memref<2x8x4096xf32, #tpu.memory_space<vmem>>, vector<16xf32>,
          tpu.vector_store %arg13[%parallel_loop3A_408, %parallel_loop3A_409, %parallel_loop3A_410], %parallel_loop3A_403 {strides = array<i32>} : memref<2x8x4096xf32, #tpu.memory_space<vmem>>, vector<16xf32>,
          %parallel_loop3A_412 = arith.subi %parallel_loop3A_339, %add3A_126 : vector<16xi32>
          %parallel_loop3A_413 = arith.constant 0 : i32
          %parallel_loop3A_414 = vector.broadcast %parallel_loop3A_413 : i32 to vector<16xi32>
          %parallel_loop3A_415 = arith.cmpi sge, %parallel_loop3A_412, %parallel_loop3A_414 : vector<16xi32>
          %parallel_loop3A_416 = arith.constant 8 : i32
          %parallel_loop3A_417 = vector.broadcast %parallel_loop3A_416 : i32 to vector<16xi32>
          %parallel_loop3A_418 = arith.cmpi slt, %parallel_loop3A_412, %parallel_loop3A_417 : vector<16xi32>
          %parallel_loop3A_419 = arith.andi %parallel_loop3A_415, %parallel_loop3A_418 : vector<16xi1>
          %parallel_loop3A_420 = arith.constant 0 : i32
          %parallel_loop3A_421 = arith.constant 7 : i32
          %parallel_loop3A_422 = vector.broadcast %parallel_loop3A_420 : i32 to vector<16xi32>
          %parallel_loop3A_423 = arith.maxsi %parallel_loop3A_422, %parallel_loop3A_412 : vector<16xi32>
          %parallel_loop3A_424 = vector.broadcast %parallel_loop3A_421 : i32 to vector<16xi32>
          %parallel_loop3A_425 = arith.minsi %parallel_loop3A_424, %parallel_loop3A_423 : vector<16xi32>
          %parallel_loop3A_426 = tpu.vector_load_idx %arg10[%parallel_loop3A_425, %parallel_loop3A_333] : memref<8x1024xf32, #tpu.memory_space<vmem>>[vector<16xi32>, vector<16xi32>], vector<16xf32>,
          %parallel_loop3A_427 = arith.constant 0.000000e+00 : f32
          %parallel_loop3A_428 = vector.broadcast %parallel_loop3A_427 : f32 to vector<16xf32>
          %parallel_loop3A_429 = arith.select %parallel_loop3A_419, %parallel_loop3A_426, %parallel_loop3A_428 : vector<16xi1>, vector<16xf32>
          %parallel_loop3A_430 = arith.subf %parallel_loop3A_326, %parallel_loop3A_429 : vector<16xf32>
          scf.yield %parallel_loop3A_430, %parallel_loop3A_327 : vector<16xf32>, vector<16xf32>
        } {sc.loop_unroll_factor = 4 : i64, sc.parallel_access}
        %mul3A_213 = arith.constant 8 : i32
        %mul3A_214 = arith.muli %add3A_118, %mul3A_213 : i32
        %mul3A_215 = arith.constant 4096 : i32
        %mul3A_216 = arith.muli %add3A_185, %mul3A_215 : i32
        %dma_start3A_217 = arith.constant 0 : i32
        %dma_start3A_218 = arith.constant 0 : i32
        %dma_start3A_219 = arith.constant 0 : i32
        %dma_start3A_220 = tpu.memref_slice %arg13[%dma_start3A_217, %dma_start3A_218, %dma_start3A_219] : memref<2x8x4096xf32, #tpu.memory_space<vmem>> -> memref<1x8x4096xf32, #tpu.memory_space<vmem>>
        %dma_start3A_221 = tpu.memref_squeeze %dma_start3A_220 : memref<1x8x4096xf32, #tpu.memory_space<vmem>> -> memref<8x4096xf32, #tpu.memory_space<vmem>>
        %dma_start3A_222 = tpu.memref_slice %arg6[%mul3A_214, %mul3A_216] : memref<1000x204800xf32, #tpu.memory_space<hbm>> -> memref<8x4096xf32, #tpu.memory_space<hbm>>
        %dma_start3A_223 = tpu.memref_slice %arg6[%mul3A_214, %mul3A_216] : memref<1000x204800xf32, #tpu.memory_space<hbm>> -> memref<8x4096xf32, #tpu.memory_space<hbm>>
        %dma_start3A_224 = arith.constant 0 : i32
        %dma_start3A_225 = arith.constant 0 : i32
        %dma_start3A_226 = tpu.memref_slice %arg13[%dma_start3A_217, %dma_start3A_224, %dma_start3A_225] : memref<2x8x4096xf32, #tpu.memory_space<vmem>> -> memref<1x8x4096xf32, #tpu.memory_space<vmem>>
        %dma_start3A_227 = tpu.memref_squeeze %dma_start3A_226 : memref<1x8x4096xf32, #tpu.memory_space<vmem>> -> memref<8x4096xf32, #tpu.memory_space<vmem>>
        tpu.enqueue_dma source(%dma_start3A_227 : memref<8x4096xf32, #tpu.memory_space<vmem>>) target(%dma_start3A_223 : memref<8x4096xf32, #tpu.memory_space<hbm>>) target_semaphore(%arg16 : memref<!tpu.dma_semaphore, #tpu.memory_space<semaphore_mem>>)
        %add3A_228 = arith.constant 2 : i32
        %add3A_229 = arith.addi %add3A_185, %add3A_228 : i32
        %rem3A = arith.constant 50 : i32
        %rem3A_230 = arith.remsi %add3A_229, %rem3A : i32
        %mul3A_231 = arith.constant 4096 : i32
        %mul3A_232 = arith.muli %rem3A_230, %mul3A_231 : i32
        %dma_start3A_233 = arith.constant 0 : i32
        %dma_start3A_234 = arith.constant 0 : i32
        %dma_start3A_235 = tpu.memref_slice %arg11[%dma_start3A_233, %dma_start3A_234] : memref<2x4096xi32, #tpu.memory_space<vmem>> -> memref<1x4096xi32, #tpu.memory_space<vmem>>
        %dma_start3A_236 = tpu.memref_squeeze %dma_start3A_235 : memref<1x4096xi32, #tpu.memory_space<vmem>> -> memref<4096xi32, #tpu.memory_space<vmem>>
        %dma_start3A_237 = tpu.memref_slice %arg2[%mul3A_232] : memref<204800xi32, #tpu.memory_space<hbm>> -> memref<4096xi32, #tpu.memory_space<hbm>>
        %dma_start3A_238 = arith.constant 0 : i32
        %dma_start3A_239 = tpu.memref_slice %arg11[%dma_start3A_233, %dma_start3A_238] : memref<2x4096xi32, #tpu.memory_space<vmem>> -> memref<1x4096xi32, #tpu.memory_space<vmem>>
        %dma_start3A_240 = tpu.memref_squeeze %dma_start3A_239 : memref<1x4096xi32, #tpu.memory_space<vmem>> -> memref<4096xi32, #tpu.memory_space<vmem>>
        %dma_start3A_241 = tpu.memref_slice %arg2[%mul3A_232] : memref<204800xi32, #tpu.memory_space<hbm>> -> memref<4096xi32, #tpu.memory_space<hbm>>
        tpu.enqueue_dma source(%dma_start3A_241 : memref<4096xi32, #tpu.memory_space<hbm>>) target(%dma_start3A_240 : memref<4096xi32, #tpu.memory_space<vmem>>) target_semaphore(%arg14 : memref<!tpu.dma_semaphore, #tpu.memory_space<semaphore_mem>>)
        %dma_start3A_242 = arith.constant 0 : i32
        %dma_start3A_243 = arith.constant 0 : i32
        %dma_start3A_244 = tpu.memref_slice %arg12[%dma_start3A_242, %dma_start3A_243] : memref<2x4096xi32, #tpu.memory_space<vmem>> -> memref<1x4096xi32, #tpu.memory_space<vmem>>
        %dma_start3A_245 = tpu.memref_squeeze %dma_start3A_244 : memref<1x4096xi32, #tpu.memory_space<vmem>> -> memref<4096xi32, #tpu.memory_space<vmem>>
        %dma_start3A_246 = tpu.memref_slice %arg3[%mul3A_232] : memref<204800xi32, #tpu.memory_space<hbm>> -> memref<4096xi32, #tpu.memory_space<hbm>>
        %dma_start3A_247 = arith.constant 0 : i32
        %dma_start3A_248 = tpu.memref_slice %arg12[%dma_start3A_242, %dma_start3A_247] : memref<2x4096xi32, #tpu.memory_space<vmem>> -> memref<1x4096xi32, #tpu.memory_space<vmem>>
        %dma_start3A_249 = tpu.memref_squeeze %dma_start3A_248 : memref<1x4096xi32, #tpu.memory_space<vmem>> -> memref<4096xi32, #tpu.memory_space<vmem>>
        %dma_start3A_250 = tpu.memref_slice %arg3[%mul3A_232] : memref<204800xi32, #tpu.memory_space<hbm>> -> memref<4096xi32, #tpu.memory_space<hbm>>
        tpu.enqueue_dma source(%dma_start3A_250 : memref<4096xi32, #tpu.memory_space<hbm>>) target(%dma_start3A_249 : memref<4096xi32, #tpu.memory_space<vmem>>) target_semaphore(%arg14 : memref<!tpu.dma_semaphore, #tpu.memory_space<semaphore_mem>>)
        %mul3A_251 = arith.constant 2 : i32
        %mul3A_252 = arith.muli %scan3A_179, %mul3A_251 : i32
        %add3A_253 = arith.constant 1 : i32
        %add3A_254 = arith.addi %mul3A_252, %add3A_253 : i32
        %ge3A_255 = arith.constant 1 : i32
        %ge3A_256 = arith.cmpi sge, %scan3A_179, %ge3A_255 : i32
        %convert_element_type3A_257 = arith.extui %ge3A_256 : i1 to i32
        %cond3A_258 = arith.constant 0 : i32
        %cond3A_259 = arith.cmpi ne, %convert_element_type3A_257, %cond3A_258 : i32
        scf.if %cond3A_259 {
          %mul3A_325 = arith.constant 8 : i32
          %mul3A_326 = arith.muli %add3A_118, %mul3A_325 : i32
          %dma_wait3A_327 = arith.constant 1 : i32
          %dma_wait3A_328 = arith.constant 0 : i32
          %dma_wait3A_329 = arith.constant 0 : i32
          %dma_wait3A_330 = tpu.memref_slice %arg13[%dma_wait3A_327, %dma_wait3A_328, %dma_wait3A_329] : memref<2x8x4096xf32, #tpu.memory_space<vmem>> -> memref<1x8x4096xf32, #tpu.memory_space<vmem>>
          %dma_wait3A_331 = tpu.memref_squeeze %dma_wait3A_330 : memref<1x8x4096xf32, #tpu.memory_space<vmem>> -> memref<8x4096xf32, #tpu.memory_space<vmem>>
          %dma_wait3A_332 = arith.constant 0 : i32
          %dma_wait3A_333 = tpu.memref_slice %arg6[%mul3A_326, %dma_wait3A_332] : memref<1000x204800xf32, #tpu.memory_space<hbm>> -> memref<8x4096xf32, #tpu.memory_space<hbm>>
          %dma_wait3A_334 = arith.constant 0 : i32
          %dma_wait3A_335 = tpu.memref_slice %arg6[%mul3A_326, %dma_wait3A_334] : memref<1000x204800xf32, #tpu.memory_space<hbm>> -> memref<8x4096xf32, #tpu.memory_space<hbm>>
          %dma_wait3A_336 = arith.constant 0 : i32
          %dma_wait3A_337 = arith.constant 0 : i32
          %dma_wait3A_338 = tpu.memref_slice %arg13[%dma_wait3A_327, %dma_wait3A_336, %dma_wait3A_337] : memref<2x8x4096xf32, #tpu.memory_space<vmem>> -> memref<1x8x4096xf32, #tpu.memory_space<vmem>>
          %dma_wait3A_339 = tpu.memref_squeeze %dma_wait3A_338 : memref<1x8x4096xf32, #tpu.memory_space<vmem>> -> memref<8x4096xf32, #tpu.memory_space<vmem>>
          tpu.wait_dma2 semaphore(%arg17 : memref<!tpu.dma_semaphore, #tpu.memory_space<semaphore_mem>>) src(%dma_wait3A_339 : memref<8x4096xf32, #tpu.memory_space<vmem>>) dst(%dma_wait3A_335 : memref<8x4096xf32, #tpu.memory_space<hbm>>)
        } else {
        }
        %dma_wait3A_260 = arith.constant 1 : i32
        %dma_wait3A_261 = arith.constant 0 : i32
        %dma_wait3A_262 = tpu.memref_slice %arg11[%dma_wait3A_260, %dma_wait3A_261] : memref<2x4096xi32, #tpu.memory_space<vmem>> -> memref<1x4096xi32, #tpu.memory_space<vmem>>
        %dma_wait3A_263 = tpu.memref_squeeze %dma_wait3A_262 : memref<1x4096xi32, #tpu.memory_space<vmem>> -> memref<4096xi32, #tpu.memory_space<vmem>>
        %dma_wait3A_264 = arith.constant 0 : i32
        %dma_wait3A_265 = tpu.memref_slice %arg2[%dma_wait3A_264] : memref<204800xi32, #tpu.memory_space<hbm>> -> memref<4096xi32, #tpu.memory_space<hbm>>
        %dma_wait3A_266 = arith.constant 0 : i32
        %dma_wait3A_267 = tpu.memref_slice %arg11[%dma_wait3A_260, %dma_wait3A_266] : memref<2x4096xi32, #tpu.memory_space<vmem>> -> memref<1x4096xi32, #tpu.memory_space<vmem>>
        %dma_wait3A_268 = tpu.memref_squeeze %dma_wait3A_267 : memref<1x4096xi32, #tpu.memory_space<vmem>> -> memref<4096xi32, #tpu.memory_space<vmem>>
        %dma_wait3A_269 = arith.constant 0 : i32
        %dma_wait3A_270 = tpu.memref_slice %arg2[%dma_wait3A_269] : memref<204800xi32, #tpu.memory_space<hbm>> -> memref<4096xi32, #tpu.memory_space<hbm>>
        tpu.wait_dma2 semaphore(%arg15 : memref<!tpu.dma_semaphore, #tpu.memory_space<semaphore_mem>>) src(%dma_wait3A_270 : memref<4096xi32, #tpu.memory_space<hbm>>) dst(%dma_wait3A_268 : memref<4096xi32, #tpu.memory_space<vmem>>)
        %dma_wait3A_271 = arith.constant 1 : i32
        %dma_wait3A_272 = arith.constant 0 : i32
        %dma_wait3A_273 = tpu.memref_slice %arg12[%dma_wait3A_271, %dma_wait3A_272] : memref<2x4096xi32, #tpu.memory_space<vmem>> -> memref<1x4096xi32, #tpu.memory_space<vmem>>
        %dma_wait3A_274 = tpu.memref_squeeze %dma_wait3A_273 : memref<1x4096xi32, #tpu.memory_space<vmem>> -> memref<4096xi32, #tpu.memory_space<vmem>>
        %dma_wait3A_275 = arith.constant 0 : i32
        %dma_wait3A_276 = tpu.memref_slice %arg3[%dma_wait3A_275] : memref<204800xi32, #tpu.memory_space<hbm>> -> memref<4096xi32, #tpu.memory_space<hbm>>
        %dma_wait3A_277 = arith.constant 0 : i32
        %dma_wait3A_278 = tpu.memref_slice %arg12[%dma_wait3A_271, %dma_wait3A_277] : memref<2x4096xi32, #tpu.memory_space<vmem>> -> memref<1x4096xi32, #tpu.memory_space<vmem>>
        %dma_wait3A_279 = tpu.memref_squeeze %dma_wait3A_278 : memref<1x4096xi32, #tpu.memory_space<vmem>> -> memref<4096xi32, #tpu.memory_space<vmem>>
        %dma_wait3A_280 = arith.constant 0 : i32
        %dma_wait3A_281 = tpu.memref_slice %arg3[%dma_wait3A_280] : memref<204800xi32, #tpu.memory_space<hbm>> -> memref<4096xi32, #tpu.memory_space<hbm>>
        tpu.wait_dma2 semaphore(%arg15 : memref<!tpu.dma_semaphore, #tpu.memory_space<semaphore_mem>>) src(%dma_wait3A_281 : memref<4096xi32, #tpu.memory_space<hbm>>) dst(%dma_wait3A_279 : memref<4096xi32, #tpu.memory_space<vmem>>)
        %parallel_loop3A_282 = arith.constant 0 : i32
        %parallel_loop3A_283 = arith.constant 256 : i32
        %parallel_loop3A_284 = arith.constant 1 : i32
        %parallel_loop3A_285:2 = scf.for %parallel_loop3A_325 = %parallel_loop3A_282 to %parallel_loop3A_283 step %parallel_loop3A_284 iter_args(%parallel_loop3A_326 = %parallel_loop3A_212#0, %parallel_loop3A_327 = %parallel_loop3A_212#1) -> (vector<16xf32>, vector<16xf32>)  : i32 {
          %parallel_loop3A_328 = arith.constant 16 : i32
          %parallel_loop3A_329 = arith.muli %parallel_loop3A_325, %parallel_loop3A_328 : i32
          %parallel_loop3A_330 = arith.constant 1 : i32
          %parallel_loop3A_331 = arith.index_cast %parallel_loop3A_330 : i32 to index
          %parallel_loop3A_332 = arith.index_cast %parallel_loop3A_329 : i32 to index
          %parallel_loop3A_333 = tpu.vector_load %arg11[%parallel_loop3A_331, %parallel_loop3A_332] {strides = array<i32>} : memref<2x4096xi32, #tpu.memory_space<vmem>>, vector<16xi32>,
          %parallel_loop3A_334 = arith.constant 16 : i32
          %parallel_loop3A_335 = arith.muli %parallel_loop3A_325, %parallel_loop3A_334 : i32
          %parallel_loop3A_336 = arith.constant 1 : i32
          %parallel_loop3A_337 = arith.index_cast %parallel_loop3A_336 : i32 to index
          %parallel_loop3A_338 = arith.index_cast %parallel_loop3A_335 : i32 to index
          %parallel_loop3A_339 = tpu.vector_load %arg12[%parallel_loop3A_337, %parallel_loop3A_338] {strides = array<i32>} : memref<2x4096xi32, #tpu.memory_space<vmem>>, vector<16xi32>,
          %parallel_loop3A_340 = tpu.vector_load_idx %arg10[%broadcast_in_dim3A_128, %parallel_loop3A_333] : memref<8x1024xf32, #tpu.memory_space<vmem>>[vector<16xi32>, vector<16xi32>], vector<16xf32>,
          %parallel_loop3A_341 = arith.constant 16 : i32
          %parallel_loop3A_342 = arith.muli %parallel_loop3A_325, %parallel_loop3A_341 : i32
          %parallel_loop3A_343 = arith.constant 1 : i32
          %parallel_loop3A_344 = arith.constant 0 : i32
          %parallel_loop3A_345 = arith.index_cast %parallel_loop3A_343 : i32 to index
          %parallel_loop3A_346 = arith.index_cast %parallel_loop3A_344 : i32 to index
          %parallel_loop3A_347 = arith.index_cast %parallel_loop3A_342 : i32 to index
          %parallel_loop3A_348 = tpu.vector_load %arg13[%parallel_loop3A_345, %parallel_loop3A_346, %parallel_loop3A_347] {strides = array<i32>} : memref<2x8x4096xf32, #tpu.memory_space<vmem>>, vector<16xf32>,
          tpu.vector_store %arg13[%parallel_loop3A_345, %parallel_loop3A_346, %parallel_loop3A_347], %parallel_loop3A_340 {strides = array<i32>} : memref<2x8x4096xf32, #tpu.memory_space<vmem>>, vector<16xf32>,
          %parallel_loop3A_349 = tpu.vector_load_idx %arg10[%broadcast_in_dim3A_130, %parallel_loop3A_333] : memref<8x1024xf32, #tpu.memory_space<vmem>>[vector<16xi32>, vector<16xi32>], vector<16xf32>,
          %parallel_loop3A_350 = arith.constant 16 : i32
          %parallel_loop3A_351 = arith.muli %parallel_loop3A_325, %parallel_loop3A_350 : i32
          %parallel_loop3A_352 = arith.constant 1 : i32
          %parallel_loop3A_353 = arith.constant 1 : i32
          %parallel_loop3A_354 = arith.index_cast %parallel_loop3A_352 : i32 to index
          %parallel_loop3A_355 = arith.index_cast %parallel_loop3A_353 : i32 to index
          %parallel_loop3A_356 = arith.index_cast %parallel_loop3A_351 : i32 to index
          %parallel_loop3A_357 = tpu.vector_load %arg13[%parallel_loop3A_354, %parallel_loop3A_355, %parallel_loop3A_356] {strides = array<i32>} : memref<2x8x4096xf32, #tpu.memory_space<vmem>>, vector<16xf32>,
          tpu.vector_store %arg13[%parallel_loop3A_354, %parallel_loop3A_355, %parallel_loop3A_356], %parallel_loop3A_349 {strides = array<i32>} : memref<2x8x4096xf32, #tpu.memory_space<vmem>>, vector<16xf32>,
          %parallel_loop3A_358 = tpu.vector_load_idx %arg10[%broadcast_in_dim3A_132, %parallel_loop3A_333] : memref<8x1024xf32, #tpu.memory_space<vmem>>[vector<16xi32>, vector<16xi32>], vector<16xf32>,
          %parallel_loop3A_359 = arith.constant 16 : i32
          %parallel_loop3A_360 = arith.muli %parallel_loop3A_325, %parallel_loop3A_359 : i32
          %parallel_loop3A_361 = arith.constant 1 : i32
          %parallel_loop3A_362 = arith.constant 2 : i32
          %parallel_loop3A_363 = arith.index_cast %parallel_loop3A_361 : i32 to index
          %parallel_loop3A_364 = arith.index_cast %parallel_loop3A_362 : i32 to index
          %parallel_loop3A_365 = arith.index_cast %parallel_loop3A_360 : i32 to index
          %parallel_loop3A_366 = tpu.vector_load %arg13[%parallel_loop3A_363, %parallel_loop3A_364, %parallel_loop3A_365] {strides = array<i32>} : memref<2x8x4096xf32, #tpu.memory_space<vmem>>, vector<16xf32>,
          tpu.vector_store %arg13[%parallel_loop3A_363, %parallel_loop3A_364, %parallel_loop3A_365], %parallel_loop3A_358 {strides = array<i32>} : memref<2x8x4096xf32, #tpu.memory_space<vmem>>, vector<16xf32>,
          %parallel_loop3A_367 = tpu.vector_load_idx %arg10[%broadcast_in_dim3A_134, %parallel_loop3A_333] : memref<8x1024xf32, #tpu.memory_space<vmem>>[vector<16xi32>, vector<16xi32>], vector<16xf32>,
          %parallel_loop3A_368 = arith.constant 16 : i32
          %parallel_loop3A_369 = arith.muli %parallel_loop3A_325, %parallel_loop3A_368 : i32
          %parallel_loop3A_370 = arith.constant 1 : i32
          %parallel_loop3A_371 = arith.constant 3 : i32
          %parallel_loop3A_372 = arith.index_cast %parallel_loop3A_370 : i32 to index
          %parallel_loop3A_373 = arith.index_cast %parallel_loop3A_371 : i32 to index
          %parallel_loop3A_374 = arith.index_cast %parallel_loop3A_369 : i32 to index
          %parallel_loop3A_375 = tpu.vector_load %arg13[%parallel_loop3A_372, %parallel_loop3A_373, %parallel_loop3A_374] {strides = array<i32>} : memref<2x8x4096xf32, #tpu.memory_space<vmem>>, vector<16xf32>,
          tpu.vector_store %arg13[%parallel_loop3A_372, %parallel_loop3A_373, %parallel_loop3A_374], %parallel_loop3A_367 {strides = array<i32>} : memref<2x8x4096xf32, #tpu.memory_space<vmem>>, vector<16xf32>,
          %parallel_loop3A_376 = tpu.vector_load_idx %arg10[%broadcast_in_dim3A_136, %parallel_loop3A_333] : memref<8x1024xf32, #tpu.memory_space<vmem>>[vector<16xi32>, vector<16xi32>], vector<16xf32>,
          %parallel_loop3A_377 = arith.constant 16 : i32
          %parallel_loop3A_378 = arith.muli %parallel_loop3A_325, %parallel_loop3A_377 : i32
          %parallel_loop3A_379 = arith.constant 1 : i32
          %parallel_loop3A_380 = arith.constant 4 : i32
          %parallel_loop3A_381 = arith.index_cast %parallel_loop3A_379 : i32 to index
          %parallel_loop3A_382 = arith.index_cast %parallel_loop3A_380 : i32 to index
          %parallel_loop3A_383 = arith.index_cast %parallel_loop3A_378 : i32 to index
          %parallel_loop3A_384 = tpu.vector_load %arg13[%parallel_loop3A_381, %parallel_loop3A_382, %parallel_loop3A_383] {strides = array<i32>} : memref<2x8x4096xf32, #tpu.memory_space<vmem>>, vector<16xf32>,
          tpu.vector_store %arg13[%parallel_loop3A_381, %parallel_loop3A_382, %parallel_loop3A_383], %parallel_loop3A_376 {strides = array<i32>} : memref<2x8x4096xf32, #tpu.memory_space<vmem>>, vector<16xf32>,
          %parallel_loop3A_385 = tpu.vector_load_idx %arg10[%broadcast_in_dim3A_138, %parallel_loop3A_333] : memref<8x1024xf32, #tpu.memory_space<vmem>>[vector<16xi32>, vector<16xi32>], vector<16xf32>,
          %parallel_loop3A_386 = arith.constant 16 : i32
          %parallel_loop3A_387 = arith.muli %parallel_loop3A_325, %parallel_loop3A_386 : i32
          %parallel_loop3A_388 = arith.constant 1 : i32
          %parallel_loop3A_389 = arith.constant 5 : i32
          %parallel_loop3A_390 = arith.index_cast %parallel_loop3A_388 : i32 to index
          %parallel_loop3A_391 = arith.index_cast %parallel_loop3A_389 : i32 to index
          %parallel_loop3A_392 = arith.index_cast %parallel_loop3A_387 : i32 to index
          %parallel_loop3A_393 = tpu.vector_load %arg13[%parallel_loop3A_390, %parallel_loop3A_391, %parallel_loop3A_392] {strides = array<i32>} : memref<2x8x4096xf32, #tpu.memory_space<vmem>>, vector<16xf32>,
          tpu.vector_store %arg13[%parallel_loop3A_390, %parallel_loop3A_391, %parallel_loop3A_392], %parallel_loop3A_385 {strides = array<i32>} : memref<2x8x4096xf32, #tpu.memory_space<vmem>>, vector<16xf32>,
          %parallel_loop3A_394 = tpu.vector_load_idx %arg10[%broadcast_in_dim3A_140, %parallel_loop3A_333] : memref<8x1024xf32, #tpu.memory_space<vmem>>[vector<16xi32>, vector<16xi32>], vector<16xf32>,
          %parallel_loop3A_395 = arith.constant 16 : i32
          %parallel_loop3A_396 = arith.muli %parallel_loop3A_325, %parallel_loop3A_395 : i32
          %parallel_loop3A_397 = arith.constant 1 : i32
          %parallel_loop3A_398 = arith.constant 6 : i32
          %parallel_loop3A_399 = arith.index_cast %parallel_loop3A_397 : i32 to index
          %parallel_loop3A_400 = arith.index_cast %parallel_loop3A_398 : i32 to index
          %parallel_loop3A_401 = arith.index_cast %parallel_loop3A_396 : i32 to index
          %parallel_loop3A_402 = tpu.vector_load %arg13[%parallel_loop3A_399, %parallel_loop3A_400, %parallel_loop3A_401] {strides = array<i32>} : memref<2x8x4096xf32, #tpu.memory_space<vmem>>, vector<16xf32>,
          tpu.vector_store %arg13[%parallel_loop3A_399, %parallel_loop3A_400, %parallel_loop3A_401], %parallel_loop3A_394 {strides = array<i32>} : memref<2x8x4096xf32, #tpu.memory_space<vmem>>, vector<16xf32>,
          %parallel_loop3A_403 = tpu.vector_load_idx %arg10[%broadcast_in_dim3A_142, %parallel_loop3A_333] : memref<8x1024xf32, #tpu.memory_space<vmem>>[vector<16xi32>, vector<16xi32>], vector<16xf32>,
          %parallel_loop3A_404 = arith.constant 16 : i32
          %parallel_loop3A_405 = arith.muli %parallel_loop3A_325, %parallel_loop3A_404 : i32
          %parallel_loop3A_406 = arith.constant 1 : i32
          %parallel_loop3A_407 = arith.constant 7 : i32
          %parallel_loop3A_408 = arith.index_cast %parallel_loop3A_406 : i32 to index
          %parallel_loop3A_409 = arith.index_cast %parallel_loop3A_407 : i32 to index
          %parallel_loop3A_410 = arith.index_cast %parallel_loop3A_405 : i32 to index
          %parallel_loop3A_411 = tpu.vector_load %arg13[%parallel_loop3A_408, %parallel_loop3A_409, %parallel_loop3A_410] {strides = array<i32>} : memref<2x8x4096xf32, #tpu.memory_space<vmem>>, vector<16xf32>,
          tpu.vector_store %arg13[%parallel_loop3A_408, %parallel_loop3A_409, %parallel_loop3A_410], %parallel_loop3A_403 {strides = array<i32>} : memref<2x8x4096xf32, #tpu.memory_space<vmem>>, vector<16xf32>,
          %parallel_loop3A_412 = arith.subi %parallel_loop3A_339, %add3A_126 : vector<16xi32>
          %parallel_loop3A_413 = arith.constant 0 : i32
          %parallel_loop3A_414 = vector.broadcast %parallel_loop3A_413 : i32 to vector<16xi32>
          %parallel_loop3A_415 = arith.cmpi sge, %parallel_loop3A_412, %parallel_loop3A_414 : vector<16xi32>
          %parallel_loop3A_416 = arith.constant 8 : i32
          %parallel_loop3A_417 = vector.broadcast %parallel_loop3A_416 : i32 to vector<16xi32>
          %parallel_loop3A_418 = arith.cmpi slt, %parallel_loop3A_412, %parallel_loop3A_417 : vector<16xi32>
          %parallel_loop3A_419 = arith.andi %parallel_loop3A_415, %parallel_loop3A_418 : vector<16xi1>
          %parallel_loop3A_420 = arith.constant 0 : i32
          %parallel_loop3A_421 = arith.constant 7 : i32
          %parallel_loop3A_422 = vector.broadcast %parallel_loop3A_420 : i32 to vector<16xi32>
          %parallel_loop3A_423 = arith.maxsi %parallel_loop3A_422, %parallel_loop3A_412 : vector<16xi32>
          %parallel_loop3A_424 = vector.broadcast %parallel_loop3A_421 : i32 to vector<16xi32>
          %parallel_loop3A_425 = arith.minsi %parallel_loop3A_424, %parallel_loop3A_423 : vector<16xi32>
          %parallel_loop3A_426 = tpu.vector_load_idx %arg10[%parallel_loop3A_425, %parallel_loop3A_333] : memref<8x1024xf32, #tpu.memory_space<vmem>>[vector<16xi32>, vector<16xi32>], vector<16xf32>,
          %parallel_loop3A_427 = arith.constant 0.000000e+00 : f32
          %parallel_loop3A_428 = vector.broadcast %parallel_loop3A_427 : f32 to vector<16xf32>
          %parallel_loop3A_429 = arith.select %parallel_loop3A_419, %parallel_loop3A_426, %parallel_loop3A_428 : vector<16xi1>, vector<16xf32>
          %parallel_loop3A_430 = arith.subf %parallel_loop3A_326, %parallel_loop3A_429 : vector<16xf32>
          scf.yield %parallel_loop3A_430, %parallel_loop3A_327 : vector<16xf32>, vector<16xf32>
        } {sc.loop_unroll_factor = 4 : i64, sc.parallel_access}
        %mul3A_286 = arith.constant 8 : i32
        %mul3A_287 = arith.muli %add3A_118, %mul3A_286 : i32
        %mul3A_288 = arith.constant 4096 : i32
        %mul3A_289 = arith.muli %add3A_254, %mul3A_288 : i32
        %dma_start3A_290 = arith.constant 1 : i32
        %dma_start3A_291 = arith.constant 0 : i32
        %dma_start3A_292 = arith.constant 0 : i32
        %dma_start3A_293 = tpu.memref_slice %arg13[%dma_start3A_290, %dma_start3A_291, %dma_start3A_292] : memref<2x8x4096xf32, #tpu.memory_space<vmem>> -> memref<1x8x4096xf32, #tpu.memory_space<vmem>>
        %dma_start3A_294 = tpu.memref_squeeze %dma_start3A_293 : memref<1x8x4096xf32, #tpu.memory_space<vmem>> -> memref<8x4096xf32, #tpu.memory_space<vmem>>
        %dma_start3A_295 = tpu.memref_slice %arg6[%mul3A_287, %mul3A_289] : memref<1000x204800xf32, #tpu.memory_space<hbm>> -> memref<8x4096xf32, #tpu.memory_space<hbm>>
        %dma_start3A_296 = tpu.memref_slice %arg6[%mul3A_287, %mul3A_289] : memref<1000x204800xf32, #tpu.memory_space<hbm>> -> memref<8x4096xf32, #tpu.memory_space<hbm>>
        %dma_start3A_297 = arith.constant 0 : i32
        %dma_start3A_298 = arith.constant 0 : i32
        %dma_start3A_299 = tpu.memref_slice %arg13[%dma_start3A_290, %dma_start3A_297, %dma_start3A_298] : memref<2x8x4096xf32, #tpu.memory_space<vmem>> -> memref<1x8x4096xf32, #tpu.memory_space<vmem>>
        %dma_start3A_300 = tpu.memref_squeeze %dma_start3A_299 : memref<1x8x4096xf32, #tpu.memory_space<vmem>> -> memref<8x4096xf32, #tpu.memory_space<vmem>>
        tpu.enqueue_dma source(%dma_start3A_300 : memref<8x4096xf32, #tpu.memory_space<vmem>>) target(%dma_start3A_296 : memref<8x4096xf32, #tpu.memory_space<hbm>>) target_semaphore(%arg17 : memref<!tpu.dma_semaphore, #tpu.memory_space<semaphore_mem>>)
        %add3A_301 = arith.constant 2 : i32
        %add3A_302 = arith.addi %add3A_254, %add3A_301 : i32
        %rem3A_303 = arith.constant 50 : i32
        %rem3A_304 = arith.remsi %add3A_302, %rem3A_303 : i32
        %mul3A_305 = arith.constant 4096 : i32
        %mul3A_306 = arith.muli %rem3A_304, %mul3A_305 : i32
        %dma_start3A_307 = arith.constant 1 : i32
        %dma_start3A_308 = arith.constant 0 : i32
        %dma_start3A_309 = tpu.memref_slice %arg11[%dma_start3A_307, %dma_start3A_308] : memref<2x4096xi32, #tpu.memory_space<vmem>> -> memref<1x4096xi32, #tpu.memory_space<vmem>>
        %dma_start3A_310 = tpu.memref_squeeze %dma_start3A_309 : memref<1x4096xi32, #tpu.memory_space<vmem>> -> memref<4096xi32, #tpu.memory_space<vmem>>
        %dma_start3A_311 = tpu.memref_slice %arg2[%mul3A_306] : memref<204800xi32, #tpu.memory_space<hbm>> -> memref<4096xi32, #tpu.memory_space<hbm>>
        %dma_start3A_312 = arith.constant 0 : i32
        %dma_start3A_313 = tpu.memref_slice %arg11[%dma_start3A_307, %dma_start3A_312] : memref<2x4096xi32, #tpu.memory_space<vmem>> -> memref<1x4096xi32, #tpu.memory_space<vmem>>
        %dma_start3A_314 = tpu.memref_squeeze %dma_start3A_313 : memref<1x4096xi32, #tpu.memory_space<vmem>> -> memref<4096xi32, #tpu.memory_space<vmem>>
        %dma_start3A_315 = tpu.memref_slice %arg2[%mul3A_306] : memref<204800xi32, #tpu.memory_space<hbm>> -> memref<4096xi32, #tpu.memory_space<hbm>>
        tpu.enqueue_dma source(%dma_start3A_315 : memref<4096xi32, #tpu.memory_space<hbm>>) target(%dma_start3A_314 : memref<4096xi32, #tpu.memory_space<vmem>>) target_semaphore(%arg15 : memref<!tpu.dma_semaphore, #tpu.memory_space<semaphore_mem>>)
        %dma_start3A_316 = arith.constant 1 : i32
        %dma_start3A_317 = arith.constant 0 : i32
        %dma_start3A_318 = tpu.memref_slice %arg12[%dma_start3A_316, %dma_start3A_317] : memref<2x4096xi32, #tpu.memory_space<vmem>> -> memref<1x4096xi32, #tpu.memory_space<vmem>>
        %dma_start3A_319 = tpu.memref_squeeze %dma_start3A_318 : memref<1x4096xi32, #tpu.memory_space<vmem>> -> memref<4096xi32, #tpu.memory_space<vmem>>
        %dma_start3A_320 = tpu.memref_slice %arg3[%mul3A_306] : memref<204800xi32, #tpu.memory_space<hbm>> -> memref<4096xi32, #tpu.memory_space<hbm>>
        %dma_start3A_321 = arith.constant 0 : i32
        %dma_start3A_322 = tpu.memref_slice %arg12[%dma_start3A_316, %dma_start3A_321] : memref<2x4096xi32, #tpu.memory_space<vmem>> -> memref<1x4096xi32, #tpu.memory_space<vmem>>
        %dma_start3A_323 = tpu.memref_squeeze %dma_start3A_322 : memref<1x4096xi32, #tpu.memory_space<vmem>> -> memref<4096xi32, #tpu.memory_space<vmem>>
        %dma_start3A_324 = tpu.memref_slice %arg3[%mul3A_306] : memref<204800xi32, #tpu.memory_space<hbm>> -> memref<4096xi32, #tpu.memory_space<hbm>>
        tpu.enqueue_dma source(%dma_start3A_324 : memref<4096xi32, #tpu.memory_space<hbm>>) target(%dma_start3A_323 : memref<4096xi32, #tpu.memory_space<vmem>>) target_semaphore(%arg15 : memref<!tpu.dma_semaphore, #tpu.memory_space<semaphore_mem>>)
        scf.yield %parallel_loop3A_285#0, %parallel_loop3A_285#1 : vector<16xf32>, vector<16xf32>
      }
      %scan3A_148 = arith.constant 25 : i32
      %mul3A_149 = arith.constant 8 : i32
      %mul3A_150 = arith.muli %add3A_118, %mul3A_149 : i32
      %dma_wait3A_151 = arith.constant 0 : i32
      %dma_wait3A_152 = arith.constant 0 : i32
      %dma_wait3A_153 = arith.constant 0 : i32
      %dma_wait3A_154 = tpu.memref_slice %arg13[%dma_wait3A_151, %dma_wait3A_152, %dma_wait3A_153] : memref<2x8x4096xf32, #tpu.memory_space<vmem>> -> memref<1x8x4096xf32, #tpu.memory_space<vmem>>
      %dma_wait3A_155 = tpu.memref_squeeze %dma_wait3A_154 : memref<1x8x4096xf32, #tpu.memory_space<vmem>> -> memref<8x4096xf32, #tpu.memory_space<vmem>>
      %dma_wait3A_156 = arith.constant 0 : i32
      %dma_wait3A_157 = tpu.memref_slice %arg6[%mul3A_150, %dma_wait3A_156] : memref<1000x204800xf32, #tpu.memory_space<hbm>> -> memref<8x4096xf32, #tpu.memory_space<hbm>>
      %dma_wait3A_158 = arith.constant 0 : i32
      %dma_wait3A_159 = tpu.memref_slice %arg6[%mul3A_150, %dma_wait3A_158] : memref<1000x204800xf32, #tpu.memory_space<hbm>> -> memref<8x4096xf32, #tpu.memory_space<hbm>>
      %dma_wait3A_160 = arith.constant 0 : i32
      %dma_wait3A_161 = arith.constant 0 : i32
      %dma_wait3A_162 = tpu.memref_slice %arg13[%dma_wait3A_151, %dma_wait3A_160, %dma_wait3A_161] : memref<2x8x4096xf32, #tpu.memory_space<vmem>> -> memref<1x8x4096xf32, #tpu.memory_space<vmem>>
      %dma_wait3A_163 = tpu.memref_squeeze %dma_wait3A_162 : memref<1x8x4096xf32, #tpu.memory_space<vmem>> -> memref<8x4096xf32, #tpu.memory_space<vmem>>
      tpu.wait_dma2 semaphore(%arg16 : memref<!tpu.dma_semaphore, #tpu.memory_space<semaphore_mem>>) src(%dma_wait3A_163 : memref<8x4096xf32, #tpu.memory_space<vmem>>) dst(%dma_wait3A_159 : memref<8x4096xf32, #tpu.memory_space<hbm>>)
      %mul3A_164 = arith.constant 8 : i32
      %mul3A_165 = arith.muli %add3A_118, %mul3A_164 : i32
      %dma_wait3A_166 = arith.constant 1 : i32
      %dma_wait3A_167 = arith.constant 0 : i32
      %dma_wait3A_168 = arith.constant 0 : i32
      %dma_wait3A_169 = tpu.memref_slice %arg13[%dma_wait3A_166, %dma_wait3A_167, %dma_wait3A_168] : memref<2x8x4096xf32, #tpu.memory_space<vmem>> -> memref<1x8x4096xf32, #tpu.memory_space<vmem>>
      %dma_wait3A_170 = tpu.memref_squeeze %dma_wait3A_169 : memref<1x8x4096xf32, #tpu.memory_space<vmem>> -> memref<8x4096xf32, #tpu.memory_space<vmem>>
      %dma_wait3A_171 = arith.constant 0 : i32
      %dma_wait3A_172 = tpu.memref_slice %arg6[%mul3A_165, %dma_wait3A_171] : memref<1000x204800xf32, #tpu.memory_space<hbm>> -> memref<8x4096xf32, #tpu.memory_space<hbm>>
      %dma_wait3A_173 = arith.constant 0 : i32
      %dma_wait3A_174 = tpu.memref_slice %arg6[%mul3A_165, %dma_wait3A_173] : memref<1000x204800xf32, #tpu.memory_space<hbm>> -> memref<8x4096xf32, #tpu.memory_space<hbm>>
      %dma_wait3A_175 = arith.constant 0 : i32
      %dma_wait3A_176 = arith.constant 0 : i32
      %dma_wait3A_177 = tpu.memref_slice %arg13[%dma_wait3A_166, %dma_wait3A_175, %dma_wait3A_176] : memref<2x8x4096xf32, #tpu.memory_space<vmem>> -> memref<1x8x4096xf32, #tpu.memory_space<vmem>>
      %dma_wait3A_178 = tpu.memref_squeeze %dma_wait3A_177 : memref<1x8x4096xf32, #tpu.memory_space<vmem>> -> memref<8x4096xf32, #tpu.memory_space<vmem>>
      tpu.wait_dma2 semaphore(%arg17 : memref<!tpu.dma_semaphore, #tpu.memory_space<semaphore_mem>>) src(%dma_wait3A_178 : memref<8x4096xf32, #tpu.memory_space<vmem>>) dst(%dma_wait3A_174 : memref<8x4096xf32, #tpu.memory_space<hbm>>)
      scf.yield %scan3A_147#0, %scan3A_147#1 : vector<16xf32>, vector<16xf32>
    }
    %while3A_64 = arith.constant 1 : i32
    %while3A_65:2 = scf.for %while3A_113 = %while3A_61 to %while3A_57 step %while3A_64 iter_args(%while3A_114 = %while3A_63#0, %while3A_115 = %while3A_63#1) -> (vector<16xf32>, vector<16xf32>)  : i32 {
      %mul3A_116 = arith.constant 32 : i32
      %mul3A_117 = arith.muli %while3A_113, %mul3A_116 : i32
      %add3A_118 = arith.addi %mul3A_117, %add3A : i32
      %mul3A_119 = arith.constant 8 : i32
      %mul3A_120 = arith.muli %add3A_118, %mul3A_119 : i32
      "tpu.region"() ({
        %run_scoped3A = tpu.sem_alloc : memref<!tpu.dma_semaphore, #tpu.memory_space<semaphore_mem>>
        %dma_start3A_179 = arith.constant 0 : i32
        %dma_start3A_180 = tpu.memref_slice %arg5[%mul3A_120, %dma_start3A_179] : memref<1000x1024xf32, #tpu.memory_space<hbm>> -> memref<8x1024xf32, #tpu.memory_space<hbm>>
        %dma_start3A_181 = arith.constant 0 : i32
        %dma_start3A_182 = tpu.memref_slice %arg5[%mul3A_120, %dma_start3A_181] : memref<1000x1024xf32, #tpu.memory_space<hbm>> -> memref<8x1024xf32, #tpu.memory_space<hbm>>
        tpu.enqueue_dma source(%dma_start3A_182 : memref<8x1024xf32, #tpu.memory_space<hbm>>) target(%arg10 : memref<8x1024xf32, #tpu.memory_space<vmem>>) target_semaphore(%run_scoped3A : memref<!tpu.dma_semaphore, #tpu.memory_space<semaphore_mem>>)
        %dma_wait3A_183 = arith.constant 0 : i32
        %dma_wait3A_184 = tpu.memref_slice %arg5[%mul3A_120, %dma_wait3A_183] : memref<1000x1024xf32, #tpu.memory_space<hbm>> -> memref<8x1024xf32, #tpu.memory_space<hbm>>
        %dma_wait3A_185 = arith.constant 0 : i32
        %dma_wait3A_186 = tpu.memref_slice %arg5[%mul3A_120, %dma_wait3A_185] : memref<1000x1024xf32, #tpu.memory_space<hbm>> -> memref<8x1024xf32, #tpu.memory_space<hbm>>
        tpu.wait_dma2 semaphore(%run_scoped3A : memref<!tpu.dma_semaphore, #tpu.memory_space<semaphore_mem>>) src(%dma_wait3A_186 : memref<8x1024xf32, #tpu.memory_space<hbm>>) dst(%arg10 : memref<8x1024xf32, #tpu.memory_space<vmem>>)
        tpu.yield
      }) : () -> ()
      %broadcast_in_dim3A_121 = arith.constant 0 : i32
      %broadcast_in_dim3A_122 = vector.broadcast %broadcast_in_dim3A_121 : i32 to vector<16xi32>
      %mul3A_123 = arith.constant 8 : i32
      %mul3A_124 = arith.muli %add3A_118, %mul3A_123 : i32
      %add3A_125 = vector.broadcast %mul3A_124 : i32 to vector<16xi32>
      %add3A_126 = arith.addi %broadcast_in_dim3A_122, %add3A_125 : vector<16xi32>
      %broadcast_in_dim3A_127 = arith.constant 0 : i32
      %broadcast_in_dim3A_128 = vector.broadcast %broadcast_in_dim3A_127 : i32 to vector<16xi32>
      %broadcast_in_dim3A_129 = arith.constant 1 : i32
      %broadcast_in_dim3A_130 = vector.broadcast %broadcast_in_dim3A_129 : i32 to vector<16xi32>
      %broadcast_in_dim3A_131 = arith.constant 2 : i32
      %broadcast_in_dim3A_132 = vector.broadcast %broadcast_in_dim3A_131 : i32 to vector<16xi32>
      %broadcast_in_dim3A_133 = arith.constant 3 : i32
      %broadcast_in_dim3A_134 = vector.broadcast %broadcast_in_dim3A_133 : i32 to vector<16xi32>
      %broadcast_in_dim3A_135 = arith.constant 4 : i32
      %broadcast_in_dim3A_136 = vector.broadcast %broadcast_in_dim3A_135 : i32 to vector<16xi32>
      %broadcast_in_dim3A_137 = arith.constant 5 : i32
      %broadcast_in_dim3A_138 = vector.broadcast %broadcast_in_dim3A_137 : i32 to vector<16xi32>
      %broadcast_in_dim3A_139 = arith.constant 6 : i32
      %broadcast_in_dim3A_140 = vector.broadcast %broadcast_in_dim3A_139 : i32 to vector<16xi32>
      %broadcast_in_dim3A_141 = arith.constant 7 : i32
      %broadcast_in_dim3A_142 = vector.broadcast %broadcast_in_dim3A_141 : i32 to vector<16xi32>
      %scan3A_143 = arith.constant 0 : i32
      %scan3A_144 = arith.constant 25 : i32
      %scan3A_145 = arith.addi %scan3A_143, %scan3A_144 : i32
      %scan3A_146 = arith.constant 1 : i32
      %scan3A_147:2 = scf.for %scan3A_179 = %scan3A_143 to %scan3A_145 step %scan3A_146 iter_args(%scan3A_180 = %while3A_114, %scan3A_181 = %while3A_115) -> (vector<16xf32>, vector<16xf32>)  : i32 {
        %mul3A_182 = arith.constant 2 : i32
        %mul3A_183 = arith.muli %scan3A_179, %mul3A_182 : i32
        %add3A_184 = arith.constant 0 : i32
        %add3A_185 = arith.addi %mul3A_183, %add3A_184 : i32
        %ge3A = arith.constant 1 : i32
        %ge3A_186 = arith.cmpi sge, %scan3A_179, %ge3A : i32
        %convert_element_type3A = arith.extui %ge3A_186 : i1 to i32
        %cond3A = arith.constant 0 : i32
        %cond3A_187 = arith.cmpi ne, %convert_element_type3A, %cond3A : i32
        scf.if %cond3A_187 {
          %mul3A_325 = arith.constant 8 : i32
          %mul3A_326 = arith.muli %add3A_118, %mul3A_325 : i32
          %dma_wait3A_327 = arith.constant 0 : i32
          %dma_wait3A_328 = arith.constant 0 : i32
          %dma_wait3A_329 = arith.constant 0 : i32
          %dma_wait3A_330 = tpu.memref_slice %arg13[%dma_wait3A_327, %dma_wait3A_328, %dma_wait3A_329] : memref<2x8x4096xf32, #tpu.memory_space<vmem>> -> memref<1x8x4096xf32, #tpu.memory_space<vmem>>
          %dma_wait3A_331 = tpu.memref_squeeze %dma_wait3A_330 : memref<1x8x4096xf32, #tpu.memory_space<vmem>> -> memref<8x4096xf32, #tpu.memory_space<vmem>>
          %dma_wait3A_332 = arith.constant 0 : i32
          %dma_wait3A_333 = tpu.memref_slice %arg6[%mul3A_326, %dma_wait3A_332] : memref<1000x204800xf32, #tpu.memory_space<hbm>> -> memref<8x4096xf32, #tpu.memory_space<hbm>>
          %dma_wait3A_334 = arith.constant 0 : i32
          %dma_wait3A_335 = tpu.memref_slice %arg6[%mul3A_326, %dma_wait3A_334] : memref<1000x204800xf32, #tpu.memory_space<hbm>> -> memref<8x4096xf32, #tpu.memory_space<hbm>>
          %dma_wait3A_336 = arith.constant 0 : i32
          %dma_wait3A_337 = arith.constant 0 : i32
          %dma_wait3A_338 = tpu.memref_slice %arg13[%dma_wait3A_327, %dma_wait3A_336, %dma_wait3A_337] : memref<2x8x4096xf32, #tpu.memory_space<vmem>> -> memref<1x8x4096xf32, #tpu.memory_space<vmem>>
          %dma_wait3A_339 = tpu.memref_squeeze %dma_wait3A_338 : memref<1x8x4096xf32, #tpu.memory_space<vmem>> -> memref<8x4096xf32, #tpu.memory_space<vmem>>
          tpu.wait_dma2 semaphore(%arg16 : memref<!tpu.dma_semaphore, #tpu.memory_space<semaphore_mem>>) src(%dma_wait3A_339 : memref<8x4096xf32, #tpu.memory_space<vmem>>) dst(%dma_wait3A_335 : memref<8x4096xf32, #tpu.memory_space<hbm>>)
        } else {
        }
        %dma_wait3A_188 = arith.constant 0 : i32
        %dma_wait3A_189 = arith.constant 0 : i32
        %dma_wait3A_190 = tpu.memref_slice %arg11[%dma_wait3A_188, %dma_wait3A_189] : memref<2x4096xi32, #tpu.memory_space<vmem>> -> memref<1x4096xi32, #tpu.memory_space<vmem>>
        %dma_wait3A_191 = tpu.memref_squeeze %dma_wait3A_190 : memref<1x4096xi32, #tpu.memory_space<vmem>> -> memref<4096xi32, #tpu.memory_space<vmem>>
        %dma_wait3A_192 = arith.constant 0 : i32
        %dma_wait3A_193 = tpu.memref_slice %arg2[%dma_wait3A_192] : memref<204800xi32, #tpu.memory_space<hbm>> -> memref<4096xi32, #tpu.memory_space<hbm>>
        %dma_wait3A_194 = arith.constant 0 : i32
        %dma_wait3A_195 = tpu.memref_slice %arg11[%dma_wait3A_188, %dma_wait3A_194] : memref<2x4096xi32, #tpu.memory_space<vmem>> -> memref<1x4096xi32, #tpu.memory_space<vmem>>
        %dma_wait3A_196 = tpu.memref_squeeze %dma_wait3A_195 : memref<1x4096xi32, #tpu.memory_space<vmem>> -> memref<4096xi32, #tpu.memory_space<vmem>>
        %dma_wait3A_197 = arith.constant 0 : i32
        %dma_wait3A_198 = tpu.memref_slice %arg2[%dma_wait3A_197] : memref<204800xi32, #tpu.memory_space<hbm>> -> memref<4096xi32, #tpu.memory_space<hbm>>
        tpu.wait_dma2 semaphore(%arg14 : memref<!tpu.dma_semaphore, #tpu.memory_space<semaphore_mem>>) src(%dma_wait3A_198 : memref<4096xi32, #tpu.memory_space<hbm>>) dst(%dma_wait3A_196 : memref<4096xi32, #tpu.memory_space<vmem>>)
        %dma_wait3A_199 = arith.constant 0 : i32
        %dma_wait3A_200 = arith.constant 0 : i32
        %dma_wait3A_201 = tpu.memref_slice %arg12[%dma_wait3A_199, %dma_wait3A_200] : memref<2x4096xi32, #tpu.memory_space<vmem>> -> memref<1x4096xi32, #tpu.memory_space<vmem>>
        %dma_wait3A_202 = tpu.memref_squeeze %dma_wait3A_201 : memref<1x4096xi32, #tpu.memory_space<vmem>> -> memref<4096xi32, #tpu.memory_space<vmem>>
        %dma_wait3A_203 = arith.constant 0 : i32
        %dma_wait3A_204 = tpu.memref_slice %arg3[%dma_wait3A_203] : memref<204800xi32, #tpu.memory_space<hbm>> -> memref<4096xi32, #tpu.memory_space<hbm>>
        %dma_wait3A_205 = arith.constant 0 : i32
        %dma_wait3A_206 = tpu.memref_slice %arg12[%dma_wait3A_199, %dma_wait3A_205] : memref<2x4096xi32, #tpu.memory_space<vmem>> -> memref<1x4096xi32, #tpu.memory_space<vmem>>
        %dma_wait3A_207 = tpu.memref_squeeze %dma_wait3A_206 : memref<1x4096xi32, #tpu.memory_space<vmem>> -> memref<4096xi32, #tpu.memory_space<vmem>>
        %dma_wait3A_208 = arith.constant 0 : i32
        %dma_wait3A_209 = tpu.memref_slice %arg3[%dma_wait3A_208] : memref<204800xi32, #tpu.memory_space<hbm>> -> memref<4096xi32, #tpu.memory_space<hbm>>
        tpu.wait_dma2 semaphore(%arg14 : memref<!tpu.dma_semaphore, #tpu.memory_space<semaphore_mem>>) src(%dma_wait3A_209 : memref<4096xi32, #tpu.memory_space<hbm>>) dst(%dma_wait3A_207 : memref<4096xi32, #tpu.memory_space<vmem>>)
        %parallel_loop3A = arith.constant 0 : i32
        %parallel_loop3A_210 = arith.constant 256 : i32
        %parallel_loop3A_211 = arith.constant 1 : i32
        %parallel_loop3A_212:2 = scf.for %parallel_loop3A_325 = %parallel_loop3A to %parallel_loop3A_210 step %parallel_loop3A_211 iter_args(%parallel_loop3A_326 = %scan3A_180, %parallel_loop3A_327 = %scan3A_181) -> (vector<16xf32>, vector<16xf32>)  : i32 {
          %parallel_loop3A_328 = arith.constant 16 : i32
          %parallel_loop3A_329 = arith.muli %parallel_loop3A_325, %parallel_loop3A_328 : i32
          %parallel_loop3A_330 = arith.constant 0 : i32
          %parallel_loop3A_331 = arith.index_cast %parallel_loop3A_330 : i32 to index
          %parallel_loop3A_332 = arith.index_cast %parallel_loop3A_329 : i32 to index
          %parallel_loop3A_333 = tpu.vector_load %arg11[%parallel_loop3A_331, %parallel_loop3A_332] {strides = array<i32>} : memref<2x4096xi32, #tpu.memory_space<vmem>>, vector<16xi32>,
          %parallel_loop3A_334 = arith.constant 16 : i32
          %parallel_loop3A_335 = arith.muli %parallel_loop3A_325, %parallel_loop3A_334 : i32
          %parallel_loop3A_336 = arith.constant 0 : i32
          %parallel_loop3A_337 = arith.index_cast %parallel_loop3A_336 : i32 to index
          %parallel_loop3A_338 = arith.index_cast %parallel_loop3A_335 : i32 to index
          %parallel_loop3A_339 = tpu.vector_load %arg12[%parallel_loop3A_337, %parallel_loop3A_338] {strides = array<i32>} : memref<2x4096xi32, #tpu.memory_space<vmem>>, vector<16xi32>,
          %parallel_loop3A_340 = tpu.vector_load_idx %arg10[%broadcast_in_dim3A_128, %parallel_loop3A_333] : memref<8x1024xf32, #tpu.memory_space<vmem>>[vector<16xi32>, vector<16xi32>], vector<16xf32>,
          %parallel_loop3A_341 = arith.constant 16 : i32
          %parallel_loop3A_342 = arith.muli %parallel_loop3A_325, %parallel_loop3A_341 : i32
          %parallel_loop3A_343 = arith.constant 0 : i32
          %parallel_loop3A_344 = arith.constant 0 : i32
          %parallel_loop3A_345 = arith.index_cast %parallel_loop3A_343 : i32 to index
          %parallel_loop3A_346 = arith.index_cast %parallel_loop3A_344 : i32 to index
          %parallel_loop3A_347 = arith.index_cast %parallel_loop3A_342 : i32 to index
          %parallel_loop3A_348 = tpu.vector_load %arg13[%parallel_loop3A_345, %parallel_loop3A_346, %parallel_loop3A_347] {strides = array<i32>} : memref<2x8x4096xf32, #tpu.memory_space<vmem>>, vector<16xf32>,
          tpu.vector_store %arg13[%parallel_loop3A_345, %parallel_loop3A_346, %parallel_loop3A_347], %parallel_loop3A_340 {strides = array<i32>} : memref<2x8x4096xf32, #tpu.memory_space<vmem>>, vector<16xf32>,
          %parallel_loop3A_349 = tpu.vector_load_idx %arg10[%broadcast_in_dim3A_130, %parallel_loop3A_333] : memref<8x1024xf32, #tpu.memory_space<vmem>>[vector<16xi32>, vector<16xi32>], vector<16xf32>,
          %parallel_loop3A_350 = arith.constant 16 : i32
          %parallel_loop3A_351 = arith.muli %parallel_loop3A_325, %parallel_loop3A_350 : i32
          %parallel_loop3A_352 = arith.constant 0 : i32
          %parallel_loop3A_353 = arith.constant 1 : i32
          %parallel_loop3A_354 = arith.index_cast %parallel_loop3A_352 : i32 to index
          %parallel_loop3A_355 = arith.index_cast %parallel_loop3A_353 : i32 to index
          %parallel_loop3A_356 = arith.index_cast %parallel_loop3A_351 : i32 to index
          %parallel_loop3A_357 = tpu.vector_load %arg13[%parallel_loop3A_354, %parallel_loop3A_355, %parallel_loop3A_356] {strides = array<i32>} : memref<2x8x4096xf32, #tpu.memory_space<vmem>>, vector<16xf32>,
          tpu.vector_store %arg13[%parallel_loop3A_354, %parallel_loop3A_355, %parallel_loop3A_356], %parallel_loop3A_349 {strides = array<i32>} : memref<2x8x4096xf32, #tpu.memory_space<vmem>>, vector<16xf32>,
          %parallel_loop3A_358 = tpu.vector_load_idx %arg10[%broadcast_in_dim3A_132, %parallel_loop3A_333] : memref<8x1024xf32, #tpu.memory_space<vmem>>[vector<16xi32>, vector<16xi32>], vector<16xf32>,
          %parallel_loop3A_359 = arith.constant 16 : i32
          %parallel_loop3A_360 = arith.muli %parallel_loop3A_325, %parallel_loop3A_359 : i32
          %parallel_loop3A_361 = arith.constant 0 : i32
          %parallel_loop3A_362 = arith.constant 2 : i32
          %parallel_loop3A_363 = arith.index_cast %parallel_loop3A_361 : i32 to index
          %parallel_loop3A_364 = arith.index_cast %parallel_loop3A_362 : i32 to index
          %parallel_loop3A_365 = arith.index_cast %parallel_loop3A_360 : i32 to index
          %parallel_loop3A_366 = tpu.vector_load %arg13[%parallel_loop3A_363, %parallel_loop3A_364, %parallel_loop3A_365] {strides = array<i32>} : memref<2x8x4096xf32, #tpu.memory_space<vmem>>, vector<16xf32>,
          tpu.vector_store %arg13[%parallel_loop3A_363, %parallel_loop3A_364, %parallel_loop3A_365], %parallel_loop3A_358 {strides = array<i32>} : memref<2x8x4096xf32, #tpu.memory_space<vmem>>, vector<16xf32>,
          %parallel_loop3A_367 = tpu.vector_load_idx %arg10[%broadcast_in_dim3A_134, %parallel_loop3A_333] : memref<8x1024xf32, #tpu.memory_space<vmem>>[vector<16xi32>, vector<16xi32>], vector<16xf32>,
          %parallel_loop3A_368 = arith.constant 16 : i32
          %parallel_loop3A_369 = arith.muli %parallel_loop3A_325, %parallel_loop3A_368 : i32
          %parallel_loop3A_370 = arith.constant 0 : i32
          %parallel_loop3A_371 = arith.constant 3 : i32
          %parallel_loop3A_372 = arith.index_cast %parallel_loop3A_370 : i32 to index
          %parallel_loop3A_373 = arith.index_cast %parallel_loop3A_371 : i32 to index
          %parallel_loop3A_374 = arith.index_cast %parallel_loop3A_369 : i32 to index
          %parallel_loop3A_375 = tpu.vector_load %arg13[%parallel_loop3A_372, %parallel_loop3A_373, %parallel_loop3A_374] {strides = array<i32>} : memref<2x8x4096xf32, #tpu.memory_space<vmem>>, vector<16xf32>,
          tpu.vector_store %arg13[%parallel_loop3A_372, %parallel_loop3A_373, %parallel_loop3A_374], %parallel_loop3A_367 {strides = array<i32>} : memref<2x8x4096xf32, #tpu.memory_space<vmem>>, vector<16xf32>,
          %parallel_loop3A_376 = tpu.vector_load_idx %arg10[%broadcast_in_dim3A_136, %parallel_loop3A_333] : memref<8x1024xf32, #tpu.memory_space<vmem>>[vector<16xi32>, vector<16xi32>], vector<16xf32>,
          %parallel_loop3A_377 = arith.constant 16 : i32
          %parallel_loop3A_378 = arith.muli %parallel_loop3A_325, %parallel_loop3A_377 : i32
          %parallel_loop3A_379 = arith.constant 0 : i32
          %parallel_loop3A_380 = arith.constant 4 : i32
          %parallel_loop3A_381 = arith.index_cast %parallel_loop3A_379 : i32 to index
          %parallel_loop3A_382 = arith.index_cast %parallel_loop3A_380 : i32 to index
          %parallel_loop3A_383 = arith.index_cast %parallel_loop3A_378 : i32 to index
          %parallel_loop3A_384 = tpu.vector_load %arg13[%parallel_loop3A_381, %parallel_loop3A_382, %parallel_loop3A_383] {strides = array<i32>} : memref<2x8x4096xf32, #tpu.memory_space<vmem>>, vector<16xf32>,
          tpu.vector_store %arg13[%parallel_loop3A_381, %parallel_loop3A_382, %parallel_loop3A_383], %parallel_loop3A_376 {strides = array<i32>} : memref<2x8x4096xf32, #tpu.memory_space<vmem>>, vector<16xf32>,
          %parallel_loop3A_385 = tpu.vector_load_idx %arg10[%broadcast_in_dim3A_138, %parallel_loop3A_333] : memref<8x1024xf32, #tpu.memory_space<vmem>>[vector<16xi32>, vector<16xi32>], vector<16xf32>,
          %parallel_loop3A_386 = arith.constant 16 : i32
          %parallel_loop3A_387 = arith.muli %parallel_loop3A_325, %parallel_loop3A_386 : i32
          %parallel_loop3A_388 = arith.constant 0 : i32
          %parallel_loop3A_389 = arith.constant 5 : i32
          %parallel_loop3A_390 = arith.index_cast %parallel_loop3A_388 : i32 to index
          %parallel_loop3A_391 = arith.index_cast %parallel_loop3A_389 : i32 to index
          %parallel_loop3A_392 = arith.index_cast %parallel_loop3A_387 : i32 to index
          %parallel_loop3A_393 = tpu.vector_load %arg13[%parallel_loop3A_390, %parallel_loop3A_391, %parallel_loop3A_392] {strides = array<i32>} : memref<2x8x4096xf32, #tpu.memory_space<vmem>>, vector<16xf32>,
          tpu.vector_store %arg13[%parallel_loop3A_390, %parallel_loop3A_391, %parallel_loop3A_392], %parallel_loop3A_385 {strides = array<i32>} : memref<2x8x4096xf32, #tpu.memory_space<vmem>>, vector<16xf32>,
          %parallel_loop3A_394 = tpu.vector_load_idx %arg10[%broadcast_in_dim3A_140, %parallel_loop3A_333] : memref<8x1024xf32, #tpu.memory_space<vmem>>[vector<16xi32>, vector<16xi32>], vector<16xf32>,
          %parallel_loop3A_395 = arith.constant 16 : i32
          %parallel_loop3A_396 = arith.muli %parallel_loop3A_325, %parallel_loop3A_395 : i32
          %parallel_loop3A_397 = arith.constant 0 : i32
          %parallel_loop3A_398 = arith.constant 6 : i32
          %parallel_loop3A_399 = arith.index_cast %parallel_loop3A_397 : i32 to index
          %parallel_loop3A_400 = arith.index_cast %parallel_loop3A_398 : i32 to index
          %parallel_loop3A_401 = arith.index_cast %parallel_loop3A_396 : i32 to index
          %parallel_loop3A_402 = tpu.vector_load %arg13[%parallel_loop3A_399, %parallel_loop3A_400, %parallel_loop3A_401] {strides = array<i32>} : memref<2x8x4096xf32, #tpu.memory_space<vmem>>, vector<16xf32>,
          tpu.vector_store %arg13[%parallel_loop3A_399, %parallel_loop3A_400, %parallel_loop3A_401], %parallel_loop3A_394 {strides = array<i32>} : memref<2x8x4096xf32, #tpu.memory_space<vmem>>, vector<16xf32>,
          %parallel_loop3A_403 = tpu.vector_load_idx %arg10[%broadcast_in_dim3A_142, %parallel_loop3A_333] : memref<8x1024xf32, #tpu.memory_space<vmem>>[vector<16xi32>, vector<16xi32>], vector<16xf32>,
          %parallel_loop3A_404 = arith.constant 16 : i32
          %parallel_loop3A_405 = arith.muli %parallel_loop3A_325, %parallel_loop3A_404 : i32
          %parallel_loop3A_406 = arith.constant 0 : i32
          %parallel_loop3A_407 = arith.constant 7 : i32
          %parallel_loop3A_408 = arith.index_cast %parallel_loop3A_406 : i32 to index
          %parallel_loop3A_409 = arith.index_cast %parallel_loop3A_407 : i32 to index
          %parallel_loop3A_410 = arith.index_cast %parallel_loop3A_405 : i32 to index
          %parallel_loop3A_411 = tpu.vector_load %arg13[%parallel_loop3A_408, %parallel_loop3A_409, %parallel_loop3A_410] {strides = array<i32>} : memref<2x8x4096xf32, #tpu.memory_space<vmem>>, vector<16xf32>,
          tpu.vector_store %arg13[%parallel_loop3A_408, %parallel_loop3A_409, %parallel_loop3A_410], %parallel_loop3A_403 {strides = array<i32>} : memref<2x8x4096xf32, #tpu.memory_space<vmem>>, vector<16xf32>,
          %parallel_loop3A_412 = arith.subi %parallel_loop3A_339, %add3A_126 : vector<16xi32>
          %parallel_loop3A_413 = arith.constant 0 : i32
          %parallel_loop3A_414 = vector.broadcast %parallel_loop3A_413 : i32 to vector<16xi32>
          %parallel_loop3A_415 = arith.cmpi sge, %parallel_loop3A_412, %parallel_loop3A_414 : vector<16xi32>
          %parallel_loop3A_416 = arith.constant 8 : i32
          %parallel_loop3A_417 = vector.broadcast %parallel_loop3A_416 : i32 to vector<16xi32>
          %parallel_loop3A_418 = arith.cmpi slt, %parallel_loop3A_412, %parallel_loop3A_417 : vector<16xi32>
          %parallel_loop3A_419 = arith.andi %parallel_loop3A_415, %parallel_loop3A_418 : vector<16xi1>
          %parallel_loop3A_420 = arith.constant 0 : i32
          %parallel_loop3A_421 = arith.constant 7 : i32
          %parallel_loop3A_422 = vector.broadcast %parallel_loop3A_420 : i32 to vector<16xi32>
          %parallel_loop3A_423 = arith.maxsi %parallel_loop3A_422, %parallel_loop3A_412 : vector<16xi32>
          %parallel_loop3A_424 = vector.broadcast %parallel_loop3A_421 : i32 to vector<16xi32>
          %parallel_loop3A_425 = arith.minsi %parallel_loop3A_424, %parallel_loop3A_423 : vector<16xi32>
          %parallel_loop3A_426 = tpu.vector_load_idx %arg10[%parallel_loop3A_425, %parallel_loop3A_333] : memref<8x1024xf32, #tpu.memory_space<vmem>>[vector<16xi32>, vector<16xi32>], vector<16xf32>,
          %parallel_loop3A_427 = arith.constant 0.000000e+00 : f32
          %parallel_loop3A_428 = vector.broadcast %parallel_loop3A_427 : f32 to vector<16xf32>
          %parallel_loop3A_429 = arith.select %parallel_loop3A_419, %parallel_loop3A_426, %parallel_loop3A_428 : vector<16xi1>, vector<16xf32>
          %parallel_loop3A_430 = arith.subf %parallel_loop3A_326, %parallel_loop3A_429 : vector<16xf32>
          scf.yield %parallel_loop3A_430, %parallel_loop3A_327 : vector<16xf32>, vector<16xf32>
        } {sc.loop_unroll_factor = 4 : i64, sc.parallel_access}
        %mul3A_213 = arith.constant 8 : i32
        %mul3A_214 = arith.muli %add3A_118, %mul3A_213 : i32
        %mul3A_215 = arith.constant 4096 : i32
        %mul3A_216 = arith.muli %add3A_185, %mul3A_215 : i32
        %dma_start3A_217 = arith.constant 0 : i32
        %dma_start3A_218 = arith.constant 0 : i32
        %dma_start3A_219 = arith.constant 0 : i32
        %dma_start3A_220 = tpu.memref_slice %arg13[%dma_start3A_217, %dma_start3A_218, %dma_start3A_219] : memref<2x8x4096xf32, #tpu.memory_space<vmem>> -> memref<1x8x4096xf32, #tpu.memory_space<vmem>>
        %dma_start3A_221 = tpu.memref_squeeze %dma_start3A_220 : memref<1x8x4096xf32, #tpu.memory_space<vmem>> -> memref<8x4096xf32, #tpu.memory_space<vmem>>
        %dma_start3A_222 = tpu.memref_slice %arg6[%mul3A_214, %mul3A_216] : memref<1000x204800xf32, #tpu.memory_space<hbm>> -> memref<8x4096xf32, #tpu.memory_space<hbm>>
        %dma_start3A_223 = tpu.memref_slice %arg6[%mul3A_214, %mul3A_216] : memref<1000x204800xf32, #tpu.memory_space<hbm>> -> memref<8x4096xf32, #tpu.memory_space<hbm>>
        %dma_start3A_224 = arith.constant 0 : i32
        %dma_start3A_225 = arith.constant 0 : i32
        %dma_start3A_226 = tpu.memref_slice %arg13[%dma_start3A_217, %dma_start3A_224, %dma_start3A_225] : memref<2x8x4096xf32, #tpu.memory_space<vmem>> -> memref<1x8x4096xf32, #tpu.memory_space<vmem>>
        %dma_start3A_227 = tpu.memref_squeeze %dma_start3A_226 : memref<1x8x4096xf32, #tpu.memory_space<vmem>> -> memref<8x4096xf32, #tpu.memory_space<vmem>>
        tpu.enqueue_dma source(%dma_start3A_227 : memref<8x4096xf32, #tpu.memory_space<vmem>>) target(%dma_start3A_223 : memref<8x4096xf32, #tpu.memory_space<hbm>>) target_semaphore(%arg16 : memref<!tpu.dma_semaphore, #tpu.memory_space<semaphore_mem>>)
        %add3A_228 = arith.constant 2 : i32
        %add3A_229 = arith.addi %add3A_185, %add3A_228 : i32
        %rem3A = arith.constant 50 : i32
        %rem3A_230 = arith.remsi %add3A_229, %rem3A : i32
        %mul3A_231 = arith.constant 4096 : i32
        %mul3A_232 = arith.muli %rem3A_230, %mul3A_231 : i32
        %dma_start3A_233 = arith.constant 0 : i32
        %dma_start3A_234 = arith.constant 0 : i32
        %dma_start3A_235 = tpu.memref_slice %arg11[%dma_start3A_233, %dma_start3A_234] : memref<2x4096xi32, #tpu.memory_space<vmem>> -> memref<1x4096xi32, #tpu.memory_space<vmem>>
        %dma_start3A_236 = tpu.memref_squeeze %dma_start3A_235 : memref<1x4096xi32, #tpu.memory_space<vmem>> -> memref<4096xi32, #tpu.memory_space<vmem>>
        %dma_start3A_237 = tpu.memref_slice %arg2[%mul3A_232] : memref<204800xi32, #tpu.memory_space<hbm>> -> memref<4096xi32, #tpu.memory_space<hbm>>
        %dma_start3A_238 = arith.constant 0 : i32
        %dma_start3A_239 = tpu.memref_slice %arg11[%dma_start3A_233, %dma_start3A_238] : memref<2x4096xi32, #tpu.memory_space<vmem>> -> memref<1x4096xi32, #tpu.memory_space<vmem>>
        %dma_start3A_240 = tpu.memref_squeeze %dma_start3A_239 : memref<1x4096xi32, #tpu.memory_space<vmem>> -> memref<4096xi32, #tpu.memory_space<vmem>>
        %dma_start3A_241 = tpu.memref_slice %arg2[%mul3A_232] : memref<204800xi32, #tpu.memory_space<hbm>> -> memref<4096xi32, #tpu.memory_space<hbm>>
        tpu.enqueue_dma source(%dma_start3A_241 : memref<4096xi32, #tpu.memory_space<hbm>>) target(%dma_start3A_240 : memref<4096xi32, #tpu.memory_space<vmem>>) target_semaphore(%arg14 : memref<!tpu.dma_semaphore, #tpu.memory_space<semaphore_mem>>)
        %dma_start3A_242 = arith.constant 0 : i32
        %dma_start3A_243 = arith.constant 0 : i32
        %dma_start3A_244 = tpu.memref_slice %arg12[%dma_start3A_242, %dma_start3A_243] : memref<2x4096xi32, #tpu.memory_space<vmem>> -> memref<1x4096xi32, #tpu.memory_space<vmem>>
        %dma_start3A_245 = tpu.memref_squeeze %dma_start3A_244 : memref<1x4096xi32, #tpu.memory_space<vmem>> -> memref<4096xi32, #tpu.memory_space<vmem>>
        %dma_start3A_246 = tpu.memref_slice %arg3[%mul3A_232] : memref<204800xi32, #tpu.memory_space<hbm>> -> memref<4096xi32, #tpu.memory_space<hbm>>
        %dma_start3A_247 = arith.constant 0 : i32
        %dma_start3A_248 = tpu.memref_slice %arg12[%dma_start3A_242, %dma_start3A_247] : memref<2x4096xi32, #tpu.memory_space<vmem>> -> memref<1x4096xi32, #tpu.memory_space<vmem>>
        %dma_start3A_249 = tpu.memref_squeeze %dma_start3A_248 : memref<1x4096xi32, #tpu.memory_space<vmem>> -> memref<4096xi32, #tpu.memory_space<vmem>>
        %dma_start3A_250 = tpu.memref_slice %arg3[%mul3A_232] : memref<204800xi32, #tpu.memory_space<hbm>> -> memref<4096xi32, #tpu.memory_space<hbm>>
        tpu.enqueue_dma source(%dma_start3A_250 : memref<4096xi32, #tpu.memory_space<hbm>>) target(%dma_start3A_249 : memref<4096xi32, #tpu.memory_space<vmem>>) target_semaphore(%arg14 : memref<!tpu.dma_semaphore, #tpu.memory_space<semaphore_mem>>)
        %mul3A_251 = arith.constant 2 : i32
        %mul3A_252 = arith.muli %scan3A_179, %mul3A_251 : i32
        %add3A_253 = arith.constant 1 : i32
        %add3A_254 = arith.addi %mul3A_252, %add3A_253 : i32
        %ge3A_255 = arith.constant 1 : i32
        %ge3A_256 = arith.cmpi sge, %scan3A_179, %ge3A_255 : i32
        %convert_element_type3A_257 = arith.extui %ge3A_256 : i1 to i32
        %cond3A_258 = arith.constant 0 : i32
        %cond3A_259 = arith.cmpi ne, %convert_element_type3A_257, %cond3A_258 : i32
        scf.if %cond3A_259 {
          %mul3A_325 = arith.constant 8 : i32
          %mul3A_326 = arith.muli %add3A_118, %mul3A_325 : i32
          %dma_wait3A_327 = arith.constant 1 : i32
          %dma_wait3A_328 = arith.constant 0 : i32
          %dma_wait3A_329 = arith.constant 0 : i32
          %dma_wait3A_330 = tpu.memref_slice %arg13[%dma_wait3A_327, %dma_wait3A_328, %dma_wait3A_329] : memref<2x8x4096xf32, #tpu.memory_space<vmem>> -> memref<1x8x4096xf32, #tpu.memory_space<vmem>>
          %dma_wait3A_331 = tpu.memref_squeeze %dma_wait3A_330 : memref<1x8x4096xf32, #tpu.memory_space<vmem>> -> memref<8x4096xf32, #tpu.memory_space<vmem>>
          %dma_wait3A_332 = arith.constant 0 : i32
          %dma_wait3A_333 = tpu.memref_slice %arg6[%mul3A_326, %dma_wait3A_332] : memref<1000x204800xf32, #tpu.memory_space<hbm>> -> memref<8x4096xf32, #tpu.memory_space<hbm>>
          %dma_wait3A_334 = arith.constant 0 : i32
          %dma_wait3A_335 = tpu.memref_slice %arg6[%mul3A_326, %dma_wait3A_334] : memref<1000x204800xf32, #tpu.memory_space<hbm>> -> memref<8x4096xf32, #tpu.memory_space<hbm>>
          %dma_wait3A_336 = arith.constant 0 : i32
          %dma_wait3A_337 = arith.constant 0 : i32
          %dma_wait3A_338 = tpu.memref_slice %arg13[%dma_wait3A_327, %dma_wait3A_336, %dma_wait3A_337] : memref<2x8x4096xf32, #tpu.memory_space<vmem>> -> memref<1x8x4096xf32, #tpu.memory_space<vmem>>
          %dma_wait3A_339 = tpu.memref_squeeze %dma_wait3A_338 : memref<1x8x4096xf32, #tpu.memory_space<vmem>> -> memref<8x4096xf32, #tpu.memory_space<vmem>>
          tpu.wait_dma2 semaphore(%arg17 : memref<!tpu.dma_semaphore, #tpu.memory_space<semaphore_mem>>) src(%dma_wait3A_339 : memref<8x4096xf32, #tpu.memory_space<vmem>>) dst(%dma_wait3A_335 : memref<8x4096xf32, #tpu.memory_space<hbm>>)
        } else {
        }
        %dma_wait3A_260 = arith.constant 1 : i32
        %dma_wait3A_261 = arith.constant 0 : i32
        %dma_wait3A_262 = tpu.memref_slice %arg11[%dma_wait3A_260, %dma_wait3A_261] : memref<2x4096xi32, #tpu.memory_space<vmem>> -> memref<1x4096xi32, #tpu.memory_space<vmem>>
        %dma_wait3A_263 = tpu.memref_squeeze %dma_wait3A_262 : memref<1x4096xi32, #tpu.memory_space<vmem>> -> memref<4096xi32, #tpu.memory_space<vmem>>
        %dma_wait3A_264 = arith.constant 0 : i32
        %dma_wait3A_265 = tpu.memref_slice %arg2[%dma_wait3A_264] : memref<204800xi32, #tpu.memory_space<hbm>> -> memref<4096xi32, #tpu.memory_space<hbm>>
        %dma_wait3A_266 = arith.constant 0 : i32
        %dma_wait3A_267 = tpu.memref_slice %arg11[%dma_wait3A_260, %dma_wait3A_266] : memref<2x4096xi32, #tpu.memory_space<vmem>> -> memref<1x4096xi32, #tpu.memory_space<vmem>>
        %dma_wait3A_268 = tpu.memref_squeeze %dma_wait3A_267 : memref<1x4096xi32, #tpu.memory_space<vmem>> -> memref<4096xi32, #tpu.memory_space<vmem>>
        %dma_wait3A_269 = arith.constant 0 : i32
        %dma_wait3A_270 = tpu.memref_slice %arg2[%dma_wait3A_269] : memref<204800xi32, #tpu.memory_space<hbm>> -> memref<4096xi32, #tpu.memory_space<hbm>>
        tpu.wait_dma2 semaphore(%arg15 : memref<!tpu.dma_semaphore, #tpu.memory_space<semaphore_mem>>) src(%dma_wait3A_270 : memref<4096xi32, #tpu.memory_space<hbm>>) dst(%dma_wait3A_268 : memref<4096xi32, #tpu.memory_space<vmem>>)
        %dma_wait3A_271 = arith.constant 1 : i32
        %dma_wait3A_272 = arith.constant 0 : i32
        %dma_wait3A_273 = tpu.memref_slice %arg12[%dma_wait3A_271, %dma_wait3A_272] : memref<2x4096xi32, #tpu.memory_space<vmem>> -> memref<1x4096xi32, #tpu.memory_space<vmem>>
        %dma_wait3A_274 = tpu.memref_squeeze %dma_wait3A_273 : memref<1x4096xi32, #tpu.memory_space<vmem>> -> memref<4096xi32, #tpu.memory_space<vmem>>
        %dma_wait3A_275 = arith.constant 0 : i32
        %dma_wait3A_276 = tpu.memref_slice %arg3[%dma_wait3A_275] : memref<204800xi32, #tpu.memory_space<hbm>> -> memref<4096xi32, #tpu.memory_space<hbm>>
        %dma_wait3A_277 = arith.constant 0 : i32
        %dma_wait3A_278 = tpu.memref_slice %arg12[%dma_wait3A_271, %dma_wait3A_277] : memref<2x4096xi32, #tpu.memory_space<vmem>> -> memref<1x4096xi32, #tpu.memory_space<vmem>>
        %dma_wait3A_279 = tpu.memref_squeeze %dma_wait3A_278 : memref<1x4096xi32, #tpu.memory_space<vmem>> -> memref<4096xi32, #tpu.memory_space<vmem>>
        %dma_wait3A_280 = arith.constant 0 : i32
        %dma_wait3A_281 = tpu.memref_slice %arg3[%dma_wait3A_280] : memref<204800xi32, #tpu.memory_space<hbm>> -> memref<4096xi32, #tpu.memory_space<hbm>>
        tpu.wait_dma2 semaphore(%arg15 : memref<!tpu.dma_semaphore, #tpu.memory_space<semaphore_mem>>) src(%dma_wait3A_281 : memref<4096xi32, #tpu.memory_space<hbm>>) dst(%dma_wait3A_279 : memref<4096xi32, #tpu.memory_space<vmem>>)
        %parallel_loop3A_282 = arith.constant 0 : i32
        %parallel_loop3A_283 = arith.constant 256 : i32
        %parallel_loop3A_284 = arith.constant 1 : i32
        %parallel_loop3A_285:2 = scf.for %parallel_loop3A_325 = %parallel_loop3A_282 to %parallel_loop3A_283 step %parallel_loop3A_284 iter_args(%parallel_loop3A_326 = %parallel_loop3A_212#0, %parallel_loop3A_327 = %parallel_loop3A_212#1) -> (vector<16xf32>, vector<16xf32>)  : i32 {
          %parallel_loop3A_328 = arith.constant 16 : i32
          %parallel_loop3A_329 = arith.muli %parallel_loop3A_325, %parallel_loop3A_328 : i32
          %parallel_loop3A_330 = arith.constant 1 : i32
          %parallel_loop3A_331 = arith.index_cast %parallel_loop3A_330 : i32 to index
          %parallel_loop3A_332 = arith.index_cast %parallel_loop3A_329 : i32 to index
          %parallel_loop3A_333 = tpu.vector_load %arg11[%parallel_loop3A_331, %parallel_loop3A_332] {strides = array<i32>} : memref<2x4096xi32, #tpu.memory_space<vmem>>, vector<16xi32>,
          %parallel_loop3A_334 = arith.constant 16 : i32
          %parallel_loop3A_335 = arith.muli %parallel_loop3A_325, %parallel_loop3A_334 : i32
          %parallel_loop3A_336 = arith.constant 1 : i32
          %parallel_loop3A_337 = arith.index_cast %parallel_loop3A_336 : i32 to index
          %parallel_loop3A_338 = arith.index_cast %parallel_loop3A_335 : i32 to index
          %parallel_loop3A_339 = tpu.vector_load %arg12[%parallel_loop3A_337, %parallel_loop3A_338] {strides = array<i32>} : memref<2x4096xi32, #tpu.memory_space<vmem>>, vector<16xi32>,
          %parallel_loop3A_340 = tpu.vector_load_idx %arg10[%broadcast_in_dim3A_128, %parallel_loop3A_333] : memref<8x1024xf32, #tpu.memory_space<vmem>>[vector<16xi32>, vector<16xi32>], vector<16xf32>,
          %parallel_loop3A_341 = arith.constant 16 : i32
          %parallel_loop3A_342 = arith.muli %parallel_loop3A_325, %parallel_loop3A_341 : i32
          %parallel_loop3A_343 = arith.constant 1 : i32
          %parallel_loop3A_344 = arith.constant 0 : i32
          %parallel_loop3A_345 = arith.index_cast %parallel_loop3A_343 : i32 to index
          %parallel_loop3A_346 = arith.index_cast %parallel_loop3A_344 : i32 to index
          %parallel_loop3A_347 = arith.index_cast %parallel_loop3A_342 : i32 to index
          %parallel_loop3A_348 = tpu.vector_load %arg13[%parallel_loop3A_345, %parallel_loop3A_346, %parallel_loop3A_347] {strides = array<i32>} : memref<2x8x4096xf32, #tpu.memory_space<vmem>>, vector<16xf32>,
          tpu.vector_store %arg13[%parallel_loop3A_345, %parallel_loop3A_346, %parallel_loop3A_347], %parallel_loop3A_340 {strides = array<i32>} : memref<2x8x4096xf32, #tpu.memory_space<vmem>>, vector<16xf32>,
          %parallel_loop3A_349 = tpu.vector_load_idx %arg10[%broadcast_in_dim3A_130, %parallel_loop3A_333] : memref<8x1024xf32, #tpu.memory_space<vmem>>[vector<16xi32>, vector<16xi32>], vector<16xf32>,
          %parallel_loop3A_350 = arith.constant 16 : i32
          %parallel_loop3A_351 = arith.muli %parallel_loop3A_325, %parallel_loop3A_350 : i32
          %parallel_loop3A_352 = arith.constant 1 : i32
          %parallel_loop3A_353 = arith.constant 1 : i32
          %parallel_loop3A_354 = arith.index_cast %parallel_loop3A_352 : i32 to index
          %parallel_loop3A_355 = arith.index_cast %parallel_loop3A_353 : i32 to index
          %parallel_loop3A_356 = arith.index_cast %parallel_loop3A_351 : i32 to index
          %parallel_loop3A_357 = tpu.vector_load %arg13[%parallel_loop3A_354, %parallel_loop3A_355, %parallel_loop3A_356] {strides = array<i32>} : memref<2x8x4096xf32, #tpu.memory_space<vmem>>, vector<16xf32>,
          tpu.vector_store %arg13[%parallel_loop3A_354, %parallel_loop3A_355, %parallel_loop3A_356], %parallel_loop3A_349 {strides = array<i32>} : memref<2x8x4096xf32, #tpu.memory_space<vmem>>, vector<16xf32>,
          %parallel_loop3A_358 = tpu.vector_load_idx %arg10[%broadcast_in_dim3A_132, %parallel_loop3A_333] : memref<8x1024xf32, #tpu.memory_space<vmem>>[vector<16xi32>, vector<16xi32>], vector<16xf32>,
          %parallel_loop3A_359 = arith.constant 16 : i32
          %parallel_loop3A_360 = arith.muli %parallel_loop3A_325, %parallel_loop3A_359 : i32
          %parallel_loop3A_361 = arith.constant 1 : i32
          %parallel_loop3A_362 = arith.constant 2 : i32
          %parallel_loop3A_363 = arith.index_cast %parallel_loop3A_361 : i32 to index
          %parallel_loop3A_364 = arith.index_cast %parallel_loop3A_362 : i32 to index
          %parallel_loop3A_365 = arith.index_cast %parallel_loop3A_360 : i32 to index
          %parallel_loop3A_366 = tpu.vector_load %arg13[%parallel_loop3A_363, %parallel_loop3A_364, %parallel_loop3A_365] {strides = array<i32>} : memref<2x8x4096xf32, #tpu.memory_space<vmem>>, vector<16xf32>,
          tpu.vector_store %arg13[%parallel_loop3A_363, %parallel_loop3A_364, %parallel_loop3A_365], %parallel_loop3A_358 {strides = array<i32>} : memref<2x8x4096xf32, #tpu.memory_space<vmem>>, vector<16xf32>,
          %parallel_loop3A_367 = tpu.vector_load_idx %arg10[%broadcast_in_dim3A_134, %parallel_loop3A_333] : memref<8x1024xf32, #tpu.memory_space<vmem>>[vector<16xi32>, vector<16xi32>], vector<16xf32>,
          %parallel_loop3A_368 = arith.constant 16 : i32
          %parallel_loop3A_369 = arith.muli %parallel_loop3A_325, %parallel_loop3A_368 : i32
          %parallel_loop3A_370 = arith.constant 1 : i32
          %parallel_loop3A_371 = arith.constant 3 : i32
          %parallel_loop3A_372 = arith.index_cast %parallel_loop3A_370 : i32 to index
          %parallel_loop3A_373 = arith.index_cast %parallel_loop3A_371 : i32 to index
          %parallel_loop3A_374 = arith.index_cast %parallel_loop3A_369 : i32 to index
          %parallel_loop3A_375 = tpu.vector_load %arg13[%parallel_loop3A_372, %parallel_loop3A_373, %parallel_loop3A_374] {strides = array<i32>} : memref<2x8x4096xf32, #tpu.memory_space<vmem>>, vector<16xf32>,
          tpu.vector_store %arg13[%parallel_loop3A_372, %parallel_loop3A_373, %parallel_loop3A_374], %parallel_loop3A_367 {strides = array<i32>} : memref<2x8x4096xf32, #tpu.memory_space<vmem>>, vector<16xf32>,
          %parallel_loop3A_376 = tpu.vector_load_idx %arg10[%broadcast_in_dim3A_136, %parallel_loop3A_333] : memref<8x1024xf32, #tpu.memory_space<vmem>>[vector<16xi32>, vector<16xi32>], vector<16xf32>,
          %parallel_loop3A_377 = arith.constant 16 : i32
          %parallel_loop3A_378 = arith.muli %parallel_loop3A_325, %parallel_loop3A_377 : i32
          %parallel_loop3A_379 = arith.constant 1 : i32
          %parallel_loop3A_380 = arith.constant 4 : i32
          %parallel_loop3A_381 = arith.index_cast %parallel_loop3A_379 : i32 to index
          %parallel_loop3A_382 = arith.index_cast %parallel_loop3A_380 : i32 to index
          %parallel_loop3A_383 = arith.index_cast %parallel_loop3A_378 : i32 to index
          %parallel_loop3A_384 = tpu.vector_load %arg13[%parallel_loop3A_381, %parallel_loop3A_382, %parallel_loop3A_383] {strides = array<i32>} : memref<2x8x4096xf32, #tpu.memory_space<vmem>>, vector<16xf32>,
          tpu.vector_store %arg13[%parallel_loop3A_381, %parallel_loop3A_382, %parallel_loop3A_383], %parallel_loop3A_376 {strides = array<i32>} : memref<2x8x4096xf32, #tpu.memory_space<vmem>>, vector<16xf32>,
          %parallel_loop3A_385 = tpu.vector_load_idx %arg10[%broadcast_in_dim3A_138, %parallel_loop3A_333] : memref<8x1024xf32, #tpu.memory_space<vmem>>[vector<16xi32>, vector<16xi32>], vector<16xf32>,
          %parallel_loop3A_386 = arith.constant 16 : i32
          %parallel_loop3A_387 = arith.muli %parallel_loop3A_325, %parallel_loop3A_386 : i32
          %parallel_loop3A_388 = arith.constant 1 : i32
          %parallel_loop3A_389 = arith.constant 5 : i32
          %parallel_loop3A_390 = arith.index_cast %parallel_loop3A_388 : i32 to index
          %parallel_loop3A_391 = arith.index_cast %parallel_loop3A_389 : i32 to index
          %parallel_loop3A_392 = arith.index_cast %parallel_loop3A_387 : i32 to index
          %parallel_loop3A_393 = tpu.vector_load %arg13[%parallel_loop3A_390, %parallel_loop3A_391, %parallel_loop3A_392] {strides = array<i32>} : memref<2x8x4096xf32, #tpu.memory_space<vmem>>, vector<16xf32>,
          tpu.vector_store %arg13[%parallel_loop3A_390, %parallel_loop3A_391, %parallel_loop3A_392], %parallel_loop3A_385 {strides = array<i32>} : memref<2x8x4096xf32, #tpu.memory_space<vmem>>, vector<16xf32>,
          %parallel_loop3A_394 = tpu.vector_load_idx %arg10[%broadcast_in_dim3A_140, %parallel_loop3A_333] : memref<8x1024xf32, #tpu.memory_space<vmem>>[vector<16xi32>, vector<16xi32>], vector<16xf32>,
          %parallel_loop3A_395 = arith.constant 16 : i32
          %parallel_loop3A_396 = arith.muli %parallel_loop3A_325, %parallel_loop3A_395 : i32
          %parallel_loop3A_397 = arith.constant 1 : i32
          %parallel_loop3A_398 = arith.constant 6 : i32
          %parallel_loop3A_399 = arith.index_cast %parallel_loop3A_397 : i32 to index
          %parallel_loop3A_400 = arith.index_cast %parallel_loop3A_398 : i32 to index
          %parallel_loop3A_401 = arith.index_cast %parallel_loop3A_396 : i32 to index
          %parallel_loop3A_402 = tpu.vector_load %arg13[%parallel_loop3A_399, %parallel_loop3A_400, %parallel_loop3A_401] {strides = array<i32>} : memref<2x8x4096xf32, #tpu.memory_space<vmem>>, vector<16xf32>,
          tpu.vector_store %arg13[%parallel_loop3A_399, %parallel_loop3A_400, %parallel_loop3A_401], %parallel_loop3A_394 {strides = array<i32>} : memref<2x8x4096xf32, #tpu.memory_space<vmem>>, vector<16xf32>,
          %parallel_loop3A_403 = tpu.vector_load_idx %arg10[%broadcast_in_dim3A_142, %parallel_loop3A_333] : memref<8x1024xf32, #tpu.memory_space<vmem>>[vector<16xi32>, vector<16xi32>], vector<16xf32>,
          %parallel_loop3A_404 = arith.constant 16 : i32
          %parallel_loop3A_405 = arith.muli %parallel_loop3A_325, %parallel_loop3A_404 : i32
          %parallel_loop3A_406 = arith.constant 1 : i32
          %parallel_loop3A_407 = arith.constant 7 : i32
          %parallel_loop3A_408 = arith.index_cast %parallel_loop3A_406 : i32 to index
          %parallel_loop3A_409 = arith.index_cast %parallel_loop3A_407 : i32 to index
          %parallel_loop3A_410 = arith.index_cast %parallel_loop3A_405 : i32 to index
          %parallel_loop3A_411 = tpu.vector_load %arg13[%parallel_loop3A_408, %parallel_loop3A_409, %parallel_loop3A_410] {strides = array<i32>} : memref<2x8x4096xf32, #tpu.memory_space<vmem>>, vector<16xf32>,
          tpu.vector_store %arg13[%parallel_loop3A_408, %parallel_loop3A_409, %parallel_loop3A_410], %parallel_loop3A_403 {strides = array<i32>} : memref<2x8x4096xf32, #tpu.memory_space<vmem>>, vector<16xf32>,
          %parallel_loop3A_412 = arith.subi %parallel_loop3A_339, %add3A_126 : vector<16xi32>
          %parallel_loop3A_413 = arith.constant 0 : i32
          %parallel_loop3A_414 = vector.broadcast %parallel_loop3A_413 : i32 to vector<16xi32>
          %parallel_loop3A_415 = arith.cmpi sge, %parallel_loop3A_412, %parallel_loop3A_414 : vector<16xi32>
          %parallel_loop3A_416 = arith.constant 8 : i32
          %parallel_loop3A_417 = vector.broadcast %parallel_loop3A_416 : i32 to vector<16xi32>
          %parallel_loop3A_418 = arith.cmpi slt, %parallel_loop3A_412, %parallel_loop3A_417 : vector<16xi32>
          %parallel_loop3A_419 = arith.andi %parallel_loop3A_415, %parallel_loop3A_418 : vector<16xi1>
          %parallel_loop3A_420 = arith.constant 0 : i32
          %parallel_loop3A_421 = arith.constant 7 : i32
          %parallel_loop3A_422 = vector.broadcast %parallel_loop3A_420 : i32 to vector<16xi32>
          %parallel_loop3A_423 = arith.maxsi %parallel_loop3A_422, %parallel_loop3A_412 : vector<16xi32>
          %parallel_loop3A_424 = vector.broadcast %parallel_loop3A_421 : i32 to vector<16xi32>
          %parallel_loop3A_425 = arith.minsi %parallel_loop3A_424, %parallel_loop3A_423 : vector<16xi32>
          %parallel_loop3A_426 = tpu.vector_load_idx %arg10[%parallel_loop3A_425, %parallel_loop3A_333] : memref<8x1024xf32, #tpu.memory_space<vmem>>[vector<16xi32>, vector<16xi32>], vector<16xf32>,
          %parallel_loop3A_427 = arith.constant 0.000000e+00 : f32
          %parallel_loop3A_428 = vector.broadcast %parallel_loop3A_427 : f32 to vector<16xf32>
          %parallel_loop3A_429 = arith.select %parallel_loop3A_419, %parallel_loop3A_426, %parallel_loop3A_428 : vector<16xi1>, vector<16xf32>
          %parallel_loop3A_430 = arith.subf %parallel_loop3A_326, %parallel_loop3A_429 : vector<16xf32>
          scf.yield %parallel_loop3A_430, %parallel_loop3A_327 : vector<16xf32>, vector<16xf32>
        } {sc.loop_unroll_factor = 4 : i64, sc.parallel_access}
        %mul3A_286 = arith.constant 8 : i32
        %mul3A_287 = arith.muli %add3A_118, %mul3A_286 : i32
        %mul3A_288 = arith.constant 4096 : i32
        %mul3A_289 = arith.muli %add3A_254, %mul3A_288 : i32
        %dma_start3A_290 = arith.constant 1 : i32
        %dma_start3A_291 = arith.constant 0 : i32
        %dma_start3A_292 = arith.constant 0 : i32
        %dma_start3A_293 = tpu.memref_slice %arg13[%dma_start3A_290, %dma_start3A_291, %dma_start3A_292] : memref<2x8x4096xf32, #tpu.memory_space<vmem>> -> memref<1x8x4096xf32, #tpu.memory_space<vmem>>
        %dma_start3A_294 = tpu.memref_squeeze %dma_start3A_293 : memref<1x8x4096xf32, #tpu.memory_space<vmem>> -> memref<8x4096xf32, #tpu.memory_space<vmem>>
        %dma_start3A_295 = tpu.memref_slice %arg6[%mul3A_287, %mul3A_289] : memref<1000x204800xf32, #tpu.memory_space<hbm>> -> memref<8x4096xf32, #tpu.memory_space<hbm>>
        %dma_start3A_296 = tpu.memref_slice %arg6[%mul3A_287, %mul3A_289] : memref<1000x204800xf32, #tpu.memory_space<hbm>> -> memref<8x4096xf32, #tpu.memory_space<hbm>>
        %dma_start3A_297 = arith.constant 0 : i32
        %dma_start3A_298 = arith.constant 0 : i32
        %dma_start3A_299 = tpu.memref_slice %arg13[%dma_start3A_290, %dma_start3A_297, %dma_start3A_298] : memref<2x8x4096xf32, #tpu.memory_space<vmem>> -> memref<1x8x4096xf32, #tpu.memory_space<vmem>>
        %dma_start3A_300 = tpu.memref_squeeze %dma_start3A_299 : memref<1x8x4096xf32, #tpu.memory_space<vmem>> -> memref<8x4096xf32, #tpu.memory_space<vmem>>
        tpu.enqueue_dma source(%dma_start3A_300 : memref<8x4096xf32, #tpu.memory_space<vmem>>) target(%dma_start3A_296 : memref<8x4096xf32, #tpu.memory_space<hbm>>) target_semaphore(%arg17 : memref<!tpu.dma_semaphore, #tpu.memory_space<semaphore_mem>>)
        %add3A_301 = arith.constant 2 : i32
        %add3A_302 = arith.addi %add3A_254, %add3A_301 : i32
        %rem3A_303 = arith.constant 50 : i32
        %rem3A_304 = arith.remsi %add3A_302, %rem3A_303 : i32
        %mul3A_305 = arith.constant 4096 : i32
        %mul3A_306 = arith.muli %rem3A_304, %mul3A_305 : i32
        %dma_start3A_307 = arith.constant 1 : i32
        %dma_start3A_308 = arith.constant 0 : i32
        %dma_start3A_309 = tpu.memref_slice %arg11[%dma_start3A_307, %dma_start3A_308] : memref<2x4096xi32, #tpu.memory_space<vmem>> -> memref<1x4096xi32, #tpu.memory_space<vmem>>
        %dma_start3A_310 = tpu.memref_squeeze %dma_start3A_309 : memref<1x4096xi32, #tpu.memory_space<vmem>> -> memref<4096xi32, #tpu.memory_space<vmem>>
        %dma_start3A_311 = tpu.memref_slice %arg2[%mul3A_306] : memref<204800xi32, #tpu.memory_space<hbm>> -> memref<4096xi32, #tpu.memory_space<hbm>>
        %dma_start3A_312 = arith.constant 0 : i32
        %dma_start3A_313 = tpu.memref_slice %arg11[%dma_start3A_307, %dma_start3A_312] : memref<2x4096xi32, #tpu.memory_space<vmem>> -> memref<1x4096xi32, #tpu.memory_space<vmem>>
        %dma_start3A_314 = tpu.memref_squeeze %dma_start3A_313 : memref<1x4096xi32, #tpu.memory_space<vmem>> -> memref<4096xi32, #tpu.memory_space<vmem>>
        %dma_start3A_315 = tpu.memref_slice %arg2[%mul3A_306] : memref<204800xi32, #tpu.memory_space<hbm>> -> memref<4096xi32, #tpu.memory_space<hbm>>
        tpu.enqueue_dma source(%dma_start3A_315 : memref<4096xi32, #tpu.memory_space<hbm>>) target(%dma_start3A_314 : memref<4096xi32, #tpu.memory_space<vmem>>) target_semaphore(%arg15 : memref<!tpu.dma_semaphore, #tpu.memory_space<semaphore_mem>>)
        %dma_start3A_316 = arith.constant 1 : i32
        %dma_start3A_317 = arith.constant 0 : i32
        %dma_start3A_318 = tpu.memref_slice %arg12[%dma_start3A_316, %dma_start3A_317] : memref<2x4096xi32, #tpu.memory_space<vmem>> -> memref<1x4096xi32, #tpu.memory_space<vmem>>
        %dma_start3A_319 = tpu.memref_squeeze %dma_start3A_318 : memref<1x4096xi32, #tpu.memory_space<vmem>> -> memref<4096xi32, #tpu.memory_space<vmem>>
        %dma_start3A_320 = tpu.memref_slice %arg3[%mul3A_306] : memref<204800xi32, #tpu.memory_space<hbm>> -> memref<4096xi32, #tpu.memory_space<hbm>>
        %dma_start3A_321 = arith.constant 0 : i32
        %dma_start3A_322 = tpu.memref_slice %arg12[%dma_start3A_316, %dma_start3A_321] : memref<2x4096xi32, #tpu.memory_space<vmem>> -> memref<1x4096xi32, #tpu.memory_space<vmem>>
        %dma_start3A_323 = tpu.memref_squeeze %dma_start3A_322 : memref<1x4096xi32, #tpu.memory_space<vmem>> -> memref<4096xi32, #tpu.memory_space<vmem>>
        %dma_start3A_324 = tpu.memref_slice %arg3[%mul3A_306] : memref<204800xi32, #tpu.memory_space<hbm>> -> memref<4096xi32, #tpu.memory_space<hbm>>
        tpu.enqueue_dma source(%dma_start3A_324 : memref<4096xi32, #tpu.memory_space<hbm>>) target(%dma_start3A_323 : memref<4096xi32, #tpu.memory_space<vmem>>) target_semaphore(%arg15 : memref<!tpu.dma_semaphore, #tpu.memory_space<semaphore_mem>>)
        scf.yield %parallel_loop3A_285#0, %parallel_loop3A_285#1 : vector<16xf32>, vector<16xf32>
      }
      %scan3A_148 = arith.constant 25 : i32
      %mul3A_149 = arith.constant 8 : i32
      %mul3A_150 = arith.muli %add3A_118, %mul3A_149 : i32
      %dma_wait3A_151 = arith.constant 0 : i32
      %dma_wait3A_152 = arith.constant 0 : i32
      %dma_wait3A_153 = arith.constant 0 : i32
      %dma_wait3A_154 = tpu.memref_slice %arg13[%dma_wait3A_151, %dma_wait3A_152, %dma_wait3A_153] : memref<2x8x4096xf32, #tpu.memory_space<vmem>> -> memref<1x8x4096xf32, #tpu.memory_space<vmem>>
      %dma_wait3A_155 = tpu.memref_squeeze %dma_wait3A_154 : memref<1x8x4096xf32, #tpu.memory_space<vmem>> -> memref<8x4096xf32, #tpu.memory_space<vmem>>
      %dma_wait3A_156 = arith.constant 0 : i32
      %dma_wait3A_157 = tpu.memref_slice %arg6[%mul3A_150, %dma_wait3A_156] : memref<1000x204800xf32, #tpu.memory_space<hbm>> -> memref<8x4096xf32, #tpu.memory_space<hbm>>
      %dma_wait3A_158 = arith.constant 0 : i32
      %dma_wait3A_159 = tpu.memref_slice %arg6[%mul3A_150, %dma_wait3A_158] : memref<1000x204800xf32, #tpu.memory_space<hbm>> -> memref<8x4096xf32, #tpu.memory_space<hbm>>
      %dma_wait3A_160 = arith.constant 0 : i32
      %dma_wait3A_161 = arith.constant 0 : i32
      %dma_wait3A_162 = tpu.memref_slice %arg13[%dma_wait3A_151, %dma_wait3A_160, %dma_wait3A_161] : memref<2x8x4096xf32, #tpu.memory_space<vmem>> -> memref<1x8x4096xf32, #tpu.memory_space<vmem>>
      %dma_wait3A_163 = tpu.memref_squeeze %dma_wait3A_162 : memref<1x8x4096xf32, #tpu.memory_space<vmem>> -> memref<8x4096xf32, #tpu.memory_space<vmem>>
      tpu.wait_dma2 semaphore(%arg16 : memref<!tpu.dma_semaphore, #tpu.memory_space<semaphore_mem>>) src(%dma_wait3A_163 : memref<8x4096xf32, #tpu.memory_space<vmem>>) dst(%dma_wait3A_159 : memref<8x4096xf32, #tpu.memory_space<hbm>>)
      %mul3A_164 = arith.constant 8 : i32
      %mul3A_165 = arith.muli %add3A_118, %mul3A_164 : i32
      %dma_wait3A_166 = arith.constant 1 : i32
      %dma_wait3A_167 = arith.constant 0 : i32
      %dma_wait3A_168 = arith.constant 0 : i32
      %dma_wait3A_169 = tpu.memref_slice %arg13[%dma_wait3A_166, %dma_wait3A_167, %dma_wait3A_168] : memref<2x8x4096xf32, #tpu.memory_space<vmem>> -> memref<1x8x4096xf32, #tpu.memory_space<vmem>>
      %dma_wait3A_170 = tpu.memref_squeeze %dma_wait3A_169 : memref<1x8x4096xf32, #tpu.memory_space<vmem>> -> memref<8x4096xf32, #tpu.memory_space<vmem>>
      %dma_wait3A_171 = arith.constant 0 : i32
      %dma_wait3A_172 = tpu.memref_slice %arg6[%mul3A_165, %dma_wait3A_171] : memref<1000x204800xf32, #tpu.memory_space<hbm>> -> memref<8x4096xf32, #tpu.memory_space<hbm>>
      %dma_wait3A_173 = arith.constant 0 : i32
      %dma_wait3A_174 = tpu.memref_slice %arg6[%mul3A_165, %dma_wait3A_173] : memref<1000x204800xf32, #tpu.memory_space<hbm>> -> memref<8x4096xf32, #tpu.memory_space<hbm>>
      %dma_wait3A_175 = arith.constant 0 : i32
      %dma_wait3A_176 = arith.constant 0 : i32
      %dma_wait3A_177 = tpu.memref_slice %arg13[%dma_wait3A_166, %dma_wait3A_175, %dma_wait3A_176] : memref<2x8x4096xf32, #tpu.memory_space<vmem>> -> memref<1x8x4096xf32, #tpu.memory_space<vmem>>
      %dma_wait3A_178 = tpu.memref_squeeze %dma_wait3A_177 : memref<1x8x4096xf32, #tpu.memory_space<vmem>> -> memref<8x4096xf32, #tpu.memory_space<vmem>>
      tpu.wait_dma2 semaphore(%arg17 : memref<!tpu.dma_semaphore, #tpu.memory_space<semaphore_mem>>) src(%dma_wait3A_178 : memref<8x4096xf32, #tpu.memory_space<vmem>>) dst(%dma_wait3A_174 : memref<8x4096xf32, #tpu.memory_space<hbm>>)
      scf.yield %scan3A_147#0, %scan3A_147#1 : vector<16xf32>, vector<16xf32>
    }
    %dma_wait3A = arith.constant 0 : i32
    %dma_wait3A_66 = arith.constant 0 : i32
    %dma_wait3A_67 = tpu.memref_slice %arg11[%dma_wait3A, %dma_wait3A_66] : memref<2x4096xi32, #tpu.memory_space<vmem>> -> memref<1x4096xi32, #tpu.memory_space<vmem>>
    %dma_wait3A_68 = tpu.memref_squeeze %dma_wait3A_67 : memref<1x4096xi32, #tpu.memory_space<vmem>> -> memref<4096xi32, #tpu.memory_space<vmem>>
    %dma_wait3A_69 = arith.constant 0 : i32
    %dma_wait3A_70 = tpu.memref_slice %arg2[%dma_wait3A_69] : memref<204800xi32, #tpu.memory_space<hbm>> -> memref<4096xi32, #tpu.memory_space<hbm>>
    %dma_wait3A_71 = arith.constant 0 : i32
    %dma_wait3A_72 = tpu.memref_slice %arg11[%dma_wait3A, %dma_wait3A_71] : memref<2x4096xi32, #tpu.memory_space<vmem>> -> memref<1x4096xi32, #tpu.memory_space<vmem>>
    %dma_wait3A_73 = tpu.memref_squeeze %dma_wait3A_72 : memref<1x4096xi32, #tpu.memory_space<vmem>> -> memref<4096xi32, #tpu.memory_space<vmem>>
    %dma_wait3A_74 = arith.constant 0 : i32
    %dma_wait3A_75 = tpu.memref_slice %arg2[%dma_wait3A_74] : memref<204800xi32, #tpu.memory_space<hbm>> -> memref<4096xi32, #tpu.memory_space<hbm>>
    tpu.wait_dma2 semaphore(%arg14 : memref<!tpu.dma_semaphore, #tpu.memory_space<semaphore_mem>>) src(%dma_wait3A_75 : memref<4096xi32, #tpu.memory_space<hbm>>) dst(%dma_wait3A_73 : memref<4096xi32, #tpu.memory_space<vmem>>)
    %dma_wait3A_76 = arith.constant 0 : i32
    %dma_wait3A_77 = arith.constant 0 : i32
    %dma_wait3A_78 = tpu.memref_slice %arg12[%dma_wait3A_76, %dma_wait3A_77] : memref<2x4096xi32, #tpu.memory_space<vmem>> -> memref<1x4096xi32, #tpu.memory_space<vmem>>
    %dma_wait3A_79 = tpu.memref_squeeze %dma_wait3A_78 : memref<1x4096xi32, #tpu.memory_space<vmem>> -> memref<4096xi32, #tpu.memory_space<vmem>>
    %dma_wait3A_80 = arith.constant 0 : i32
    %dma_wait3A_81 = tpu.memref_slice %arg3[%dma_wait3A_80] : memref<204800xi32, #tpu.memory_space<hbm>> -> memref<4096xi32, #tpu.memory_space<hbm>>
    %dma_wait3A_82 = arith.constant 0 : i32
    %dma_wait3A_83 = tpu.memref_slice %arg12[%dma_wait3A_76, %dma_wait3A_82] : memref<2x4096xi32, #tpu.memory_space<vmem>> -> memref<1x4096xi32, #tpu.memory_space<vmem>>
    %dma_wait3A_84 = tpu.memref_squeeze %dma_wait3A_83 : memref<1x4096xi32, #tpu.memory_space<vmem>> -> memref<4096xi32, #tpu.memory_space<vmem>>
    %dma_wait3A_85 = arith.constant 0 : i32
    %dma_wait3A_86 = tpu.memref_slice %arg3[%dma_wait3A_85] : memref<204800xi32, #tpu.memory_space<hbm>> -> memref<4096xi32, #tpu.memory_space<hbm>>
    tpu.wait_dma2 semaphore(%arg14 : memref<!tpu.dma_semaphore, #tpu.memory_space<semaphore_mem>>) src(%dma_wait3A_86 : memref<4096xi32, #tpu.memory_space<hbm>>) dst(%dma_wait3A_84 : memref<4096xi32, #tpu.memory_space<vmem>>)
    %dma_wait3A_87 = arith.constant 1 : i32
    %dma_wait3A_88 = arith.constant 0 : i32
    %dma_wait3A_89 = tpu.memref_slice %arg11[%dma_wait3A_87, %dma_wait3A_88] : memref<2x4096xi32, #tpu.memory_space<vmem>> -> memref<1x4096xi32, #tpu.memory_space<vmem>>
    %dma_wait3A_90 = tpu.memref_squeeze %dma_wait3A_89 : memref<1x4096xi32, #tpu.memory_space<vmem>> -> memref<4096xi32, #tpu.memory_space<vmem>>
    %dma_wait3A_91 = arith.constant 0 : i32
    %dma_wait3A_92 = tpu.memref_slice %arg2[%dma_wait3A_91] : memref<204800xi32, #tpu.memory_space<hbm>> -> memref<4096xi32, #tpu.memory_space<hbm>>
    %dma_wait3A_93 = arith.constant 0 : i32
    %dma_wait3A_94 = tpu.memref_slice %arg11[%dma_wait3A_87, %dma_wait3A_93] : memref<2x4096xi32, #tpu.memory_space<vmem>> -> memref<1x4096xi32, #tpu.memory_space<vmem>>
    %dma_wait3A_95 = tpu.memref_squeeze %dma_wait3A_94 : memref<1x4096xi32, #tpu.memory_space<vmem>> -> memref<4096xi32, #tpu.memory_space<vmem>>
    %dma_wait3A_96 = arith.constant 0 : i32
    %dma_wait3A_97 = tpu.memref_slice %arg2[%dma_wait3A_96] : memref<204800xi32, #tpu.memory_space<hbm>> -> memref<4096xi32, #tpu.memory_space<hbm>>
    tpu.wait_dma2 semaphore(%arg15 : memref<!tpu.dma_semaphore, #tpu.memory_space<semaphore_mem>>) src(%dma_wait3A_97 : memref<4096xi32, #tpu.memory_space<hbm>>) dst(%dma_wait3A_95 : memref<4096xi32, #tpu.memory_space<vmem>>)
    %dma_wait3A_98 = arith.constant 1 : i32
    %dma_wait3A_99 = arith.constant 0 : i32
    %dma_wait3A_100 = tpu.memref_slice %arg12[%dma_wait3A_98, %dma_wait3A_99] : memref<2x4096xi32, #tpu.memory_space<vmem>> -> memref<1x4096xi32, #tpu.memory_space<vmem>>
    %dma_wait3A_101 = tpu.memref_squeeze %dma_wait3A_100 : memref<1x4096xi32, #tpu.memory_space<vmem>> -> memref<4096xi32, #tpu.memory_space<vmem>>
    %dma_wait3A_102 = arith.constant 0 : i32
    %dma_wait3A_103 = tpu.memref_slice %arg3[%dma_wait3A_102] : memref<204800xi32, #tpu.memory_space<hbm>> -> memref<4096xi32, #tpu.memory_space<hbm>>
    %dma_wait3A_104 = arith.constant 0 : i32
    %dma_wait3A_105 = tpu.memref_slice %arg12[%dma_wait3A_98, %dma_wait3A_104] : memref<2x4096xi32, #tpu.memory_space<vmem>> -> memref<1x4096xi32, #tpu.memory_space<vmem>>
    %dma_wait3A_106 = tpu.memref_squeeze %dma_wait3A_105 : memref<1x4096xi32, #tpu.memory_space<vmem>> -> memref<4096xi32, #tpu.memory_space<vmem>>
    %dma_wait3A_107 = arith.constant 0 : i32
    %dma_wait3A_108 = tpu.memref_slice %arg3[%dma_wait3A_107] : memref<204800xi32, #tpu.memory_space<hbm>> -> memref<4096xi32, #tpu.memory_space<hbm>>
    tpu.wait_dma2 semaphore(%arg15 : memref<!tpu.dma_semaphore, #tpu.memory_space<semaphore_mem>>) src(%dma_wait3A_108 : memref<4096xi32, #tpu.memory_space<hbm>>) dst(%dma_wait3A_106 : memref<4096xi32, #tpu.memory_space<vmem>>)
    %add3A_109 = arith.addf %while3A_65#0, %while3A_65#1 : vector<16xf32>
    %swap3A = arith.constant 0 : index
    %swap3A_110 = tpu.vector_load %arg9[%swap3A] {strides = array<i32>} : memref<1024xf32, #tpu.memory_space<vmem>>, vector<16xf32>,
    tpu.vector_store %arg9[%swap3A], %add3A_109 {strides = array<i32>} : memref<1024xf32, #tpu.memory_space<vmem>>, vector<16xf32>,
    %mul3A_111 = arith.constant 16 : i32
    %mul3A_112 = arith.muli %add3A, %mul3A_111 : i32
    "tpu.region"() ({
      %run_scoped3A = tpu.sem_alloc : memref<!tpu.dma_semaphore, #tpu.memory_space<semaphore_mem>>
      %dma_start3A_113 = arith.constant 0 : i32
      %dma_start3A_114 = tpu.memref_slice %arg9[%dma_start3A_113] : memref<1024xf32, #tpu.memory_space<vmem>> -> memref<16xf32, #tpu.memory_space<vmem>>
      %dma_start3A_115 = tpu.memref_slice %arg7[%mul3A_112] : memref<512xf32, #tpu.memory_space<hbm>> -> memref<16xf32, #tpu.memory_space<hbm>>
      %dma_start3A_116 = tpu.memref_slice %arg7[%mul3A_112] : memref<512xf32, #tpu.memory_space<hbm>> -> memref<16xf32, #tpu.memory_space<hbm>>
      %dma_start3A_117 = arith.constant 0 : i32
      %dma_start3A_118 = tpu.memref_slice %arg9[%dma_start3A_117] : memref<1024xf32, #tpu.memory_space<vmem>> -> memref<16xf32, #tpu.memory_space<vmem>>
      tpu.enqueue_dma source(%dma_start3A_118 : memref<16xf32, #tpu.memory_space<vmem>>) target(%dma_start3A_116 : memref<16xf32, #tpu.memory_space<hbm>>) target_semaphore(%run_scoped3A : memref<!tpu.dma_semaphore, #tpu.memory_space<semaphore_mem>>)
      %dma_wait3A_119 = arith.constant 0 : i32
      %dma_wait3A_120 = tpu.memref_slice %arg9[%dma_wait3A_119] : memref<1024xf32, #tpu.memory_space<vmem>> -> memref<16xf32, #tpu.memory_space<vmem>>
      %dma_wait3A_121 = tpu.memref_slice %arg7[%mul3A_112] : memref<512xf32, #tpu.memory_space<hbm>> -> memref<16xf32, #tpu.memory_space<hbm>>
      %dma_wait3A_122 = tpu.memref_slice %arg7[%mul3A_112] : memref<512xf32, #tpu.memory_space<hbm>> -> memref<16xf32, #tpu.memory_space<hbm>>
      %dma_wait3A_123 = arith.constant 0 : i32
      %dma_wait3A_124 = tpu.memref_slice %arg9[%dma_wait3A_123] : memref<1024xf32, #tpu.memory_space<vmem>> -> memref<16xf32, #tpu.memory_space<vmem>>
      tpu.wait_dma2 semaphore(%run_scoped3A : memref<!tpu.dma_semaphore, #tpu.memory_space<semaphore_mem>>) src(%dma_wait3A_124 : memref<16xf32, #tpu.memory_space<vmem>>) dst(%dma_wait3A_122 : memref<16xf32, #tpu.memory_space<hbm>>)
      tpu.yield
    }) : () -> ()
    return
  }
}

module attributes {stable_mosaic.version = 14 : i64} {
  func.func @_row_lse_body(%arg0: memref<1024x1000xf32, #tpu.memory_space<vmem>>, %arg1: memref<1024xf32, #tpu.memory_space<vmem>>) attributes {dimension_semantics = [], scalar_prefetch = 0 : i64, scratch_operands = 0 : i64, tpu.core_type = #tpu.core_type<tc>} {
    %get3A = arith.constant 0 : index
    %get3A_0 = arith.constant 0 : index
    %get3A_1 = vector.load %arg0[%get3A, %get3A_0] : memref<1024x1000xf32, #tpu.memory_space<vmem>>, vector<1024x1000xf32>
    %reduce_max3A = arith.constant dense<0xFF800000> : vector<1024xf32>
    %reduce_max3A_2 = vector.multi_reduction <maximumf>, %get3A_1, %reduce_max3A [1] : vector<1024x1000xf32> to vector<1024xf32>
    %broadcast_in_dim3A = vector.shape_cast %reduce_max3A_2 : vector<1024xf32> to vector<1024x1xf32>
    %sub3A = vector.broadcast %broadcast_in_dim3A : vector<1024x1xf32> to vector<1024x1000xf32>
    %sub3A_3 = arith.subf %get3A_1, %sub3A : vector<1024x1000xf32>
    %exp3A = math.exp %sub3A_3 : vector<1024x1000xf32>
    %reduce_sum3A = arith.constant dense<0.000000e+00> : vector<1024xf32>
    %reduce_sum3A_4 = vector.multi_reduction <add>, %exp3A, %reduce_sum3A [1] : vector<1024x1000xf32> to vector<1024xf32>
    %log3A = math.log %reduce_sum3A_4 : vector<1024xf32>
    %add3A = arith.addf %log3A, %reduce_max3A_2 : vector<1024xf32>
    %swap3A = arith.constant 0 : index
    %swap3A_5 = vector.load %arg1[%swap3A] : memref<1024xf32, #tpu.memory_space<vmem>>, vector<1024xf32>
    tpu.vector_store %arg1[%swap3A], %add3A {strides = array<i32>} : memref<1024xf32, #tpu.memory_space<vmem>>, vector<1024xf32>,
    return
  }
}

</mosaic_0001>

<sc_bundles>
// kernel: kernel.4.cloned.1.call-start
scs
__scs_entry_jumppad:
0x0: {  	(pc) =	sbr.rel $0x88, $3  }
0x1: {  	(tag) =	ssettag $0x0;
	lr =	simm.s32 $0x1  }
0x2: {  	[smem:$0x3F9E] =	sst lr;
	_ =	strace $0xD0000000  }
0x3: {  	_ = 	snop  }
0x4: {  	_ = 	snop  }
0x5: {  	_ = 	snop  }
0x6: {  	_ = 	snop  }
0x7: {  	_ = 	snop  }
__scs_overlays_trampoline_lowered:
0x8: {  	[smem:$0x3FAD] =	sst s0  }
0x9: {  	[smem:$0x3FAE] =	sst s1  }
0xa: {  	[smem:$0x3FAF] =	sst s2  }
0xb: {  	[smem:$0x3FB0] =	sst s3  }
0xc: {  	[smem:$0x3FB1] =	sst s4  }
0xd: {  	[smem:$0x3FB2] =	sst s5  }
0xe: {  	[smem:$0x3FB3] =	sst s6  }
0xf: {  	[smem:$0x3FB4] =	sst s7  }
0x10: {  	[smem:$0x3FB5] =	sst s8  }
0x11: {  	[smem:$0x3FB6] =	sst s9;
	s0 =	simm.s32 @!p0 $0x0  }
0x12: {  	s1 =	sld [smem:$0x3F9C];
	s0 =	simm.s32 @p0 $0x1  }
0x13: {  	[smem:$0x3FB7] =	sst s0;
	s0 =	simm.s32 @!p1 $0x0  }
0x14: {  	s2 =	sld [smem:$0x3F9B];
	s0 =	simm.s32 @p1 $0x1  }
0x15: {  	[smem:$0x3FB8] =	sst s0;
	s0 =	simm.s32 @!p2 $0x0  }
0x16: {  	s3 =	sld [smem:$0x3FDB];
	s0 =	simm.s32 @p2 $0x1  }
0x17: {  	s4 =	simm.s32 $0x1BF5;
	[smem:$0x3FBA] =	sst s0  }
0x18: {  	s0 =	sld [smem:$0x3F9D];
	_ =	swait.ge [sflag:s4], $0x0  }
0x19: {  	s7 =	sld [smem:$0x3F9E]  }
0x1a: {  	s8 =	sadd.s32 $0xFFFFE003, lr  }
0x1b: {  	s9 =	sadd.s32 $0xFFFFFEF7, lr;
	s5 =	simm.s32 $0xFFFFFFFF;
	p2 =	slt.u32 s8, $0xFFFFF086  }
0x1c: {  	p1 =	slt.u32 s9, $0xF7A;
	s5 =	simm.s32 @!p2 $0x0  }
0x1d: {  	s5 =	simm.s32 @p1 $0x1;
	p0 =	seq.s32 s7, s2  }
0x1e: {  	s7 =	smul.u32 @!p0 $0xF7A, s2;
	p2 =	seq.s32 @!p0 s5, $0x0  }
0x1f: {  	s9 =	smul.u32 $0xF7A, s1;
	s8 =	simm.s32 @!p0 $0x1BF5;
	p2 =	por !p2, p0  }
0x20: {  	[sflag:s8] =	ssyncset.s32 @!p0 $0xFFFFF086;
	s6 =	sadd.s32 @!p0 s3, s7;
	s7 =	simm.s32 @!p0 $0x108  }
0x21: {  	s3 =	sadd.s32 s3, s9;
	s6 =	sadd.s32 @!p0 $0x88, s6;
	s7 =	simm.s32 @p2 $0x1082  }
0x22: {  	[simem:s7], [sflag:s8] =	dma.local @!p0 [hbm:s6], $0xF7A  }
0x23: {  	s9 =	sor.u32 $0xD0000000, s2;
	s6 =	simm.s32 $0x108;
	_ =	swait.ge @!p0 [sflag:s8], $0x0  }
0x24: {  	s3 =	sadd.s32 $0x88, s3;
	s6 =	simm.s32 @!p1 $0x1082;
	[sflag:s4] =	ssyncset.s32 $0xFFFFF086  }
0x25: {  	[simem:s6], [sflag:s4] =	dma.local [hbm:s3], $0xF7A  }
0x26: {  	[smem:$0x3F9E] =	sst s1;
	(tag) =	ssettag s2;
	_ =	strace s9  }
0x27: {  	s1 =	sld [smem:$0x3FAE]  }
0x28: {  	s2 =	sld [smem:$0x3FAF]  }
0x29: {  	s4 =	sld [smem:$0x3FB1]  }
0x2a: {  	p0 =	seq.s32 s5, $0x0;
	s5 =	sld [smem:$0x3FB2]  }
0x2b: {  	s6 =	sld [smem:$0x3FB3]  }
0x2c: {  	s7 =	sld [smem:$0x3FB4]  }
0x2d: {  	s3 =	simm.s32 $0x108;
	s8 =	sld [smem:$0x3FB5]  }
0x2e: {  	s3 =	simm.s32 @!p0 $0x1082;
	s9 =	sld [smem:$0x3FB6]  }
0x2f: {  	lr =	sadd.s32 s0, s3;
	s0 =	sld [smem:$0x3FAD]  }
0x30: {  	s3 =	sld [smem:$0x3FB0]  }
0x31: {  	[smem:$0x3FB9] =	sst s10  }
0x32: {  	s10 =	sld [smem:$0x3FB7];
	_ =	sdelay $0x3  }
0x33: {  	p0 =	seq.s32 s10, $0x1;
	s10 =	sld [smem:$0x3FB9];
	_ =	sdelay $0x3  }
0x34: {  	[smem:$0x3FB9] =	sst s10  }
0x35: {  	s10 =	sld [smem:$0x3FB8];
	_ =	sdelay $0x3  }
0x36: {  	p1 =	seq.s32 s10, $0x1;
	s10 =	sld [smem:$0x3FB9];
	_ =	sdelay $0x3  }
0x37: {  	[smem:$0x3FB9] =	sst s10  }
0x38: {  	s10 =	sld [smem:$0x3FBA]  }
0x39: {  	_ = 	snop;
	(pc) =	sbr.ind lr, $3  }
0x3a: {  	_ = 	snop  }
0x3b: {  	_ = 	snop  }
0x3c: {  	p2 =	seq.s32 s10, $0x1;
	s10 =	sld [smem:$0x3FB9]  }
0x3d: {  	_ =	shalt  }
0x3e: {  	_ =	shalt  }
0x3f: {  	_ =	shalt  }
0x40: {  	_ =	shalt  }
0x41: {  	_ =	shalt  }
0x42: {  	_ =	shalt  }
0x43: {  	_ =	shalt  }
0x44: {  	_ =	shalt  }
0x45: {  	_ =	shalt  }
0x46: {  	_ =	shalt  }
0x47: {  	_ =	shalt  }
0x48: {  	_ =	shalt  }
0x49: {  	_ =	shalt  }
0x4a: {  	_ =	shalt  }
0x4b: {  	_ =	shalt  }
0x4c: {  	_ =	shalt  }
0x4d: {  	_ =	shalt  }
0x4e: {  	_ =	shalt  }
0x4f: {  	_ =	shalt  }
0x50: {  	_ =	shalt  }
0x51: {  	_ =	shalt  }
0x52: {  	_ =	shalt  }
0x53: {  	_ =	shalt  }
0x54: {  	_ =	shalt  }
0x55: {  	_ =	shalt  }
0x56: {  	_ =	shalt  }
0x57: {  	_ =	shalt  }
0x58: {  	_ =	shalt  }
0x59: {  	_ =	shalt  }
0x5a: {  	_ =	shalt  }
0x5b: {  	_ =	shalt  }
0x5c: {  	_ =	shalt  }
0x5d: {  	_ =	shalt  }
0x5e: {  	_ =	shalt  }
0x5f: {  	_ =	shalt  }
0x60: {  	_ =	shalt  }
0x61: {  	_ =	shalt  }
0x62: {  	_ =	shalt  }
0x63: {  	_ =	shalt  }
0x64: {  	_ =	shalt  }
0x65: {  	_ =	shalt  }
0x66: {  	_ =	shalt  }
0x67: {  	_ =	shalt  }
0x68: {  	_ =	shalt  }
0x69: {  	_ =	shalt  }
0x6a: {  	_ =	shalt  }
0x6b: {  	_ =	shalt  }
0x6c: {  	_ =	shalt  }
0x6d: {  	_ =	shalt  }
0x6e: {  	_ =	shalt  }
0x6f: {  	_ =	shalt  }
0x70: {  	_ =	shalt  }
0x71: {  	_ =	shalt  }
0x72: {  	_ =	shalt  }
0x73: {  	_ =	shalt  }
0x74: {  	_ =	shalt  }
0x75: {  	_ =	shalt  }
0x76: {  	_ =	shalt  }
0x77: {  	_ =	shalt  }
0x78: {  	_ =	shalt  }
0x79: {  	_ =	shalt  }
0x7a: {  	_ =	shalt  }
0x7b: {  	_ =	shalt  }
0x7c: {  	_ =	shalt  }
0x7d: {  	_ =	shalt  }
0x7e: {  	_ =	shalt  }
0x7f: {  	_ =	shalt  }
0x80: {  	_ =	shalt  }
0x81: {  	_ =	shalt  }
0x82: {  	_ =	shalt  }
0x83: {  	_ =	shalt  }
0x84: {  	_ =	shalt  }
0x85: {  	_ =	shalt  }
0x86: {  	_ =	shalt  }
0x87: {  	_ =	shalt  }
.Lfunc_end0:
.L_simem_size_0:
called_computation_lowered:
.L_overlay_start_0:
0x88: {  	s2 =	sld [smem:$0x3FD9]  }
0x89: {  	s3 =	sld [smem:$0x3FFE];
	_ =	sdelay $0x1  }
0x8a: {  	s1 =	srdreg.scid  }
0x8b: {  	s0 =	sand.u32 $0x1, s1  }
0x8c: {  	s14 =	sshll.u32 s0, $0xA;
	s2 =	sadd.s32 s3, s2  }
0x8d: {  	s2 =	sadd.s32 s2, s14  }
0x8e: {  	[smem:$0x3FC5] =	sst s2  }
0x8f: {  	_ = 	snop  }
0x90: {  	s2 =	sld [smem:$0x3FD0];
	_ =	sdelay $0x2  }
0x91: {  	s15 =	simm.s32 $0xA;
	s4 =	simm.s32 $0x10  }
0x92: {  	[smem:s4], [sflag:s15] =	dma.local [hbm:s2], $0x1  }
0x93: {  	_ =	swait.eq [sflag:s15], $0x1  }
0x94: {  	[sflag:s15] =	ssyncset.done $0x0  }
0x95: {  	[sflag:s15] =	ssyncadd.s32 $0xFFFFFFFF  }
0x96: {  	s16 =	sld [smem:$0x10];
	(tm) =	ssettm $0x1  }
0x97: {  	s17 =	sld [smem:$0x3FFB];
	_ =	sdelay $0x3  }
0x98: {  	_ =	strace s17  }
0x99: {  	s3 =	sld [smem:$0x3FFC];
	_ =	sdelay $0x3  }
0x9a: {  	_ =	strace s3  }
0x9b: {  	s3 =	sld [smem:$0x3FFD];
	_ =	sdelay $0x3  }
0x9c: {  	_ =	strace s3  }
0x9d: {  	_ =	strace $0x8FFFFFFF  }
0x9e: {  	s18 =	sld [smem:$0x3FDB];
	_ =	sdelay $0x1  }
0x9f: {  	s19 =	simm.s32 $_scs_section_size  }
0xa0: {  	s5 =	simm.s32 $_size__tile_overlayer_lowered;
	s6 =	simm.s32 $_tile_overlayer_lowered  }
0xa1: {  	s22 =	simm.s32 $0x1BFF;
	s21 =	sshll.u32 s6, $0x1;
	s3 =	sadd.s32 s19, s18  }
0xa2: {  	s7 =	simm.s32 $0x0;
	s20 =	sshll.u32 s5, $0x1;
	s5 =	sadd.s32 s21, s3  }
0xa3: {  	[timem:s7], [sflag:s22] =	dma.local [hbm:s5], s20  }
0xa4: {  	_ =	swait.ge [sflag:s22], s20  }
0xa5: {  	s4 =	ssub.s32 $0x0, s20;
	[sflag:s22] =	ssyncset.done $0x0  }
0xa6: {  	[sflag:s22] =	ssyncadd.s32 s4;
	_ =	sdelay $0x1  }
0xa7: {  	s23 =	simm.s32 $0x1B8B  }
0xa8: {  	_ =	swait.ge [sflag:s23], $0x1  }
0xa9: {  	[sflag:s23] =	ssyncset.done $0x0  }
0xaa: {  	s25 =	simm.s32 $0x1B8E;
	s24 =	sld [smem:$0x3FFE];
	[sflag:s23] =	ssyncadd.s32 $0xFFFFFFFF  }
0xab: {  	s26 =	simm.s32 $execute0_lowered;
	[smem:$0x3FD2] =	sst s25  }
0xac: {  	s5 =	sshll.u32 s26, $0x1;
	_ =	strace $0x80000046;
	[dreg:$0x1] =	wrdreg $0xFFFFFFFF  }
0xad: {  	s28 =	simm.s32 $_size_execute0_lowered;
	s3 =	sadd.s32 s3, s5;
	[dreg:$0x0] =	wrdreg $0x0  }
0xae: {  	s5 =	sshll.u32 s28, $0x1;
	[dreg:$0x2] =	wrdreg s3  }
0xaf: {  	[dreg:$0x3] =	wrdreg s5  }
0xb0: {  	[dreg:$0x4] =	wrdreg $0xC0  }
0xb1: {  	_ =	task [dreg:s7], $0x5FFFF  }
0xb2: {  	[dreg:$0x1] =	wrdreg $0xFFFFFFFF  }
0xb3: {  	[dreg:$0x0] =	wrdreg $0x60  }
0xb4: {  	[dreg:$0x2] =	wrdreg s24  }
0xb5: {  	[dreg:$0x3] =	wrdreg s16  }
0xb6: {  	[dreg:$0x4] =	wrdreg $0x9  }
0xb7: {  	_ =	task.clear_ibuf [dreg:s7], $0x5FFFF;
	_ =	strace $0x90000046  }
0xb8: {  	s29 =	simm.s32 $0x9;
	_ =	strace $0x80000048  }
0xb9: {  	_ =	swait.ge [sflag:s29], $0x1  }
0xba: {  	[sflag:s29] =	ssyncadd.s32 $0xFFFFFFFF  }
0xbb: {  	_ =	strace $0x90000048  }
0xbc: {  	_ =	sfence  }
0xbd: {  	s30 =	sld [smem:$0x0];
	_ =	sdelay $0x2  }
0xbe: {  	s31 =	sshll.u32 s1, $0xD;
	s1 =	sshrl.u32 s1, $0x2  }
0xbf: {  	s3 =	sand.u32 $0x4000, s31;
	s1 =	sadd.s32 s1, s30  }
0xc0: {  	s0 =	sor.u32 s3, s0;
	s1 =	sshll.u32 s1, $0x11  }
0xc1: {  	s0 =	sor.u32 s1, s0  }
0xc2: {  	s0 =	sadd.s32 $0x8F2B, s0  }
0xc3: {  	[sflag:s0] =	ssyncadd.remote.s32 $0x1  }
0xc4: {  	_ =	sfence.sel $0xFFFF  }
0xc5: {  	[dreg:$0x0] =	wrdreg $0xFFFFFFFF;
	(pc) =	sbr.abs _section_cstart, $3  }
0xc6: {  	[dreg:$0x1] =	wrdreg $0xFFFFFFFF  }
0xc7: {  	_ =	task.clear_ibuf [dreg:s7], $0x2FFFF;
	_ =	strace $0x9FFFFFFF  }
0xc8: {  	(tm) =	ssettm $0x7FFFFFFF  }
0xc9: {  	_ =	shalt  }
tec
execute0_lowered:
.L_overlay_start_1:
0x0: {  	(tag) =	ssettag $0x1  }
0x1: {  	s0 =	rddreg [dreg:$0x0]  }
0x2: {  	s1 =	rddreg [dreg:$0x1];
	s3 =	simm.s32 $0x0  }
0x3: {  	s2 =	srdreg.scid;
	s4 =	stileid.u32;
	s18 =	simm.s32 $0x1D00  }
0x4: {  	s19 =	simm.s32 $0x1;
	s21 =	simm.s32 $0x2;
	[smem:$0x7FF] =	sst s3  }
0x5: {  	s2 =	sand.u32 $0x1, s2;
	s6 =	sshll.u32 s4, $0x1;
	s4 =	sadd.s32 $0xA00, s0  }
0x6: {  	s5 =	sadd.s32 $0x6E00, s0;
	s7 =	sadd.s32 $0x2C600, s0;
	s8 =	sadd.s32 $0xD200, s0  }
0x7: {  	s11 =	sadd.s32 $0x7000, s0;
	_ =	strace $0x80000047;
	[dreg:$0x3] =	wrdreg s7  }
0x8: {  	s6 =	sor.u32 s2, s6;
	s2 =	ssub.s32 $0x2, s2;
	[dreg:$0x4] =	wrdreg s8  }
0x9: {  	s26 =	smul.u32 $0x320, s6;
	s28 =	sshll.u32 s6, $0x1;
	s9 =	sshrl.u32 s2, $0x1  }
0xa: {  	p0 =	slt.u32 s6, $0x1D;
	s29 =	sshll.u32 s6, $0x3;
	s6 =	simm.s32 $0x1900  }
0xb: {  	s8 =	sadd.s32 s28, s0;
	[dreg:$0x7] =	wrdreg s29;
	s7 =	sadd.s32 s4, s26  }
0xc: {  	s2 =	ssub.s32 s2, s9;
	s30 =	sadd.s32 $0x2C800, s8;
	[dreg:$0x5] =	wrdreg s7  }
0xd: {  	s31 =	smax.u32 s2, $0x1;
	s7 =	simm.s32 $0x4;
	[dreg:$0x8] =	wrdreg s30  }
0xe: {  	s9 =	sadd.s32 $0xC00, s0;
	[dreg:$0x9] =	wrdreg s31;
	s7 =	simm.s32 @!p0 $0x3  }
0xf: {  	s8 =	simm.s32 $0x5;
	s2 =	simm.s32 $0x0;
	[dreg:$0x6] =	wrdreg s7  }
.LBB2_1:
0x10: {  	[dreg:$0xa] =	wrdreg s2  }
0x11: {  	s0 =	rddreg [dreg:$0x5]  }
0x12: {  	[tilespmem:s3], [sflag:$0x5] =	stream.linear.gather [hbm4b:s0+s3], $0x1900, $0x38;
	[tilespmem:$0x17D00] =	vst v63  }
0x13: {  	_ =	swait.ge [sflag:s8], $0x1900  }
0x14: {  	[sflag:s8] =	ssyncset.done $0x0  }
0x15: {  	s30 =	rddreg [dreg:$0x3];
	[sflag:s8] =	ssyncadd.s32 $0xFFFFE700  }
0x16: {  	[tilespmem:s6], [sflag:$0x5] =	stream.linear.gather [hbm4b:s30+s3], $0x400, $0x38;
	[tilespmem:$0x17D00] =	vst v63  }
0x17: {  	_ =	swait.ge [sflag:s8], $0x400  }
0x18: {  	[sflag:s8] =	ssyncset.done $0x0  }
0x19: {  	s31 =	simm.s32 $0x0;
	[sflag:s8] =	ssyncadd.s32 $0xFFFFFC00  }
0x1a: {  	v1 =	vld [tilespmem:s31+$0x0];
	_ =	sdelay $0x7  }
0x1b: {  	v0 =	vimm.f32 $0.0e+00;
	s2 =	simm.s32 $0x10;
	s0 =	simm.s32 $0x80;
	v1 =	vld.idx.msk [tilespmem:v1+s6+$0x0], $0xffff  }
.LBB2_2:
0x1c: {  	p0 =	sne.s32 s0, $0x63C0;
	v2 =	vld [tilespmem:s2+$0x0];
	_ =	sdelay $0x3  }
.Ltmp0:
0x1d: {  	(pc) =	sbr.rel @p0 .LBB2_2-.Ltmp0, $2  }
0x1e: {  	v0 =	vadd.f32 v1, v0;
	_ =	sdelay $0x2  }
0x1f: {  	s2 =	sshra.s32 s0, $0x2;
	s0 =	sadd.s32 $0x40, s0;
	v1 =	vld.idx.msk [tilespmem:v2+s6+$0x0], $0xffff  }
0x20: {  	v2 =	vld [tilespmem:s2+$0x0];
	_ =	sdelay $0x7  }
0x21: {  	v2 =	vld.idx.msk [tilespmem:v2+s6+$0x0], $0xffff;
	_ =	sdelay $0x2  }
0x22: {  	v0 =	vadd.f32 v1, v0;
	_ =	sdelay $0x1  }
0x23: {  	s0 =	simm.s32 $0x0;
	s2 =	simm.s32 $0x3D00;
	s6 =	simm.s32 $0x0;
	v1 =	vadd.f32 v2, v0  }
.LBB2_4:
0x24: {  	p0 =	sne.s32 s6, $0x1F0  }
.Ltmp1:
0x25: {  	_ = 	snop;
	(pc) =	sbr.rel @p0 .LBB2_4-.Ltmp1, $4  }
0x26: {  	_ = 	snop  }
0x27: {  	s7 =	sadd.s32 s6, s4  }
0x28: {  	[tilespmem:s2], [sflag:$0x1] =	stream.linear.gather [hbm4b:s7+s0], $0x80, $0x38;
	[tilespmem:$0x17D00] =	vst v63  }
0x29: {  	s6 =	sadd.s32 $0x10, s6;
	s2 =	sadd.s32 $0x100, s2  }
0x2a: {  	s0 =	simm.s32 $0x5D00  }
0x2b: {  	s2 =	simm.s32 $0x10;
	s7 =	sadd.s32 $0x0, s5;
	s6 =	simm.s32 $0x5E00  }
.LBB2_6:
0x2c: {  	[tilespmem:s0], [sflag:$0x1] =	stream.linear.gather [hbm4b:s7+s3], $0x80, $0x38;
	[tilespmem:$0x17D00] =	vst v63  }
0x2d: {  	s7 =	smov.u32 s2;
	s0 =	smov.u32 s6;
	p0 =	sne.s32 s2, $0x1F0  }
.Ltmp2:
0x2e: {  	s2 =	sadd.s32 $0x10, s2;
	(pc) =	sbr.rel @p0 .LBB2_6-.Ltmp2, $2  }
0x2f: {  	_ =	sdelay $0x2  }
0x30: {  	s6 =	sadd.s32 $0x100, s6;
	s7 =	sadd.s32 s7, s5  }
0x31: {  	[tilespmem:s0], [sflag:$0x1] =	stream.linear.gather [hbm4b:s7+s3], $0x80, $0x38;
	[tilespmem:$0x17D00] =	vst v63  }
0x32: {  	s0 =	simm.s32 $0x3D80  }
0x33: {  	s2 =	simm.s32 $0x10;
	s7 =	sadd.s32 $0x0, s9;
	s6 =	simm.s32 $0x3E80  }
.LBB2_8:
0x34: {  	[tilespmem:s0], [sflag:$0x2] =	stream.linear.gather [hbm4b:s7+s3], $0x80, $0x38;
	[tilespmem:$0x17D00] =	vst v63  }
0x35: {  	s7 =	smov.u32 s2;
	s0 =	smov.u32 s6;
	p0 =	sne.s32 s2, $0x1F0  }
.Ltmp3:
0x36: {  	s2 =	sadd.s32 $0x10, s2;
	(pc) =	sbr.rel @p0 .LBB2_8-.Ltmp3, $2  }
0x37: {  	_ =	sdelay $0x2  }
0x38: {  	s6 =	sadd.s32 $0x100, s6;
	s7 =	sadd.s32 s7, s9  }
0x39: {  	[tilespmem:s0], [sflag:$0x2] =	stream.linear.gather [hbm4b:s7+s3], $0x80, $0x38;
	[tilespmem:$0x17D00] =	vst v63  }
0x3a: {  	s25 =	simm.s32 $0x0;
	s0 =	simm.s32 $0x5D80  }
0x3b: {  	s2 =	simm.s32 $0x10;
	s7 =	sadd.s32 $0x0, s11;
	s6 =	simm.s32 $0x5E80  }
.LBB2_10:
0x3c: {  	[tilespmem:s0], [sflag:$0x2] =	stream.linear.gather [hbm4b:s7+s25], $0x80, $0x38;
	[tilespmem:$0x17D00] =	vst v63  }
0x3d: {  	s7 =	smov.u32 s2;
	s0 =	smov.u32 s6;
	p0 =	sne.s32 s2, $0x1F0  }
.Ltmp4:
0x3e: {  	s2 =	sadd.s32 $0x10, s2;
	(pc) =	sbr.rel @p0 .LBB2_10-.Ltmp4, $2  }
0x3f: {  	_ =	sdelay $0x2  }
0x40: {  	s6 =	sadd.s32 $0x100, s6;
	s7 =	sadd.s32 s7, s11  }
0x41: {  	[tilespmem:s0], [sflag:$0x2] =	stream.linear.gather [hbm4b:s7+s25], $0x80, $0x38;
	[tilespmem:$0x17D00] =	vst v63  }
.LBB2_12:
0x42: {  	s0 =	sshll.u32 s25, $0x8;
	s2 =	rddreg [dreg:$0x7]  }
0x43: {  	s0 =	sor.u32 s2, s0  }
0x44: {  	s7 =	rddreg [dreg:$0x4];
	s2 =	sshll.u32 s0, $0x7  }
0x45: {  	s31 =	simm.s32 $0x0;
	s6 =	sshrl.u32 s0, $0x3;
	s2 =	sadd.s32 s7, s2  }
0x46: {  	[tilespmem:s18], [sflag:$0x5] =	stream.linear.gather [hbm4b:s2+s31], $0x2000, $0x38;
	[tilespmem:$0x17D00] =	vst v63  }
0x47: {  	s28 =	smul.u32 $0x190000, s6;
	_ =	swait.ge [sflag:s8], $0x2000  }
0x48: {  	[sflag:s8] =	ssyncset.done $0x0  }
0x49: {  	s30 =	simm.s32 $0x0;
	v0 =	vmov s0;
	s29 =	sor.u32 $0x8000, s28;
	[sflag:s8] =	ssyncadd.s32 $0xFFFFE000  }
.LBB2_13:
0x4a: {  	p0 =	seq.s32 s30, $0x0  }
0x4b: {  	s0 =	simm.s32 @!p0 $0x3  }
0x4c: {  	_ =	swait.ge @!p0 [sflag:s0], $0x8000  }
0x4d: {  	[sflag:s0] =	ssyncset.done @!p0 $0x0  }
0x4e: {  	[sflag:s0] =	ssyncadd.s32 @!p0 $0xFFFF8000  }
0x4f: {  	_ =	swait.ge [sflag:s19], $0x1000  }
0x50: {  	[sflag:s19] =	ssyncset.done $0x0  }
0x51: {  	[sflag:s19] =	ssyncadd.s32 $0xFFFFF000  }
0x52: {  	s23 =	simm.s32 $0x0;
	s2 =	simm.s32 $0x0;
	_ =	swait.ge [sflag:s19], $0x1000  }
0x53: {  	s2 =	sand.u32 $0x40, s2;
	s0 =	sand.u32 $0xFFFFFF00, s23;
	[sflag:s19] =	ssyncset.done $0x0  }
0x54: {  	s6 =	sor.u32 s2, s0;
	[sflag:s19] =	ssyncadd.s32 $0xFFFFF000  }
0x55: {  	s7 =	sor.u32 $0x10, s2;
	v2 =	vld [tilespmem:s6+$0x3D00]  }
0x56: {  	s8 =	sor.u32 $0x20, s2;
	s10 =	sor.u32 s0, s7  }
0x57: {  	s12 =	sor.u32 s0, s8;
	v3 =	vld [tilespmem:s10+$0x3D00]  }
0x58: {  	s14 =	sor.u32 $0x30, s2;
	v4 =	vld [tilespmem:s12+$0x3D00]  }
0x59: {  	s0 =	sor.u32 s0, s14  }
0x5a: {  	v5 =	vld [tilespmem:s0+$0x3D00];
	v6 =	vshll.u32 v2, $0x3  }
0x5b: {  	v2 =	vand.u32 $0x7F, v2;
	v6 =	vand.u32 $0xFFFFFC00, v6  }
0x5c: {  	v10 =	vor.u32 v2, v6;
	v2 =	vshll.u32 v3, $0x3  }
0x5d: {  	v6 =	vshll.u32 v4, $0x3;
	v3 =	vand.u32 $0x7F, v3;
	v2 =	vand.u32 $0xFFFFFC00, v2  }
0x5e: {  	v4 =	vand.u32 $0x7F, v4;
	v6 =	vand.u32 $0xFFFFFC00, v6;
	v16 =	vor.u32 v3, v2  }
0x5f: {  	v2 =	vshll.u32 v5, $0x3;
	v14 =	vor.u32 v4, v6  }
0x60: {  	v11 =	vld [tilespmem:s0+$0x5D00];
	v3 =	vand.u32 $0x7F, v5;
	v2 =	vand.u32 $0xFFFFFC00, v2  }
0x61: {  	v12 =	vld [tilespmem:s10+$0x5D00];
	v15 =	vor.u32 v3, v2  }
0x62: {  	v2 =	vld.idx.msk [tilespmem:v10+s18+$0x0], $0xffff  }
0x63: {  	s24 =	simm.s32 $0x0;
	v3 =	vor.u32 $0x80, v10;
	v4 =	vld.idx.msk [tilespmem:v16+s18+$0x0], $0xffff  }
0x64: {  	s0 =	sand.u32 $0x3FFFFC00, s24;
	v6 =	vor.u32 $0x80, v16;
	v5 =	vld.idx.msk [tilespmem:v14+s18+$0x0], $0xffff  }
0x65: {  	v13 =	vld [tilespmem:s6+$0x5D00];
	s0 =	sadd.s32 $0x7D00, s0;
	v7 =	vor.u32 $0x80, v14  }
0x66: {  	s13 =	sor.u32 s2, s0;
	v8 =	vld.idx.msk [tilespmem:v15+s18+$0x0], $0xffff  }
0x67: {  	v18 =	vld [tilespmem:s12+$0x5D00];
	s10 =	sor.u32 s7, s0;
	[tilespmem:s13+$0x0] =	vst v2  }
0x68: {  	s2 =	sor.u32 s8, s0;
	v2 =	vor.u32 $0x80, v15;
	v3 =	vld.idx.msk [tilespmem:v3+s18+$0x0], $0xffff;
	[tilespmem:s10+$0x0] =	vst v4  }
0x69: {  	s26 =	simm.s32 $0x80;
	s6 =	simm.s32 $0x40;
	v4 =	vor.u32 $0x100, v10;
	[tilespmem:s2+$0x0] =	vst v5;
	v6 =	vld.idx.msk [tilespmem:v6+s18+$0x0], $0xffff  }
0x6a: {  	s12 =	sand.u32 $0xFFFFFF00, s26;
	s0 =	sor.u32 s14, s0;
	s7 =	sand.u32 $0x40, s6;
	v5 =	vor.u32 $0x100, v16;
	v7 =	vld.idx.msk [tilespmem:v7+s18+$0x0], $0xffff  }
0x6b: {  	s14 =	sor.u32 s7, s12;
	[tilespmem:s0+$0x0] =	vst v8;
	v8 =	vor.u32 $0x100, v14  }
0x6c: {  	v22 =	vld [tilespmem:s14+$0x3D00]  }
0x6d: {  	v9 =	vld.idx.msk [tilespmem:v2+s18+$0x0], $0xffff;
	[tilespmem:s13+$0x80] =	vst v3  }
0x6e: {  	v3 =	vld.idx.msk [tilespmem:v4+s18+$0x0], $0xffff;
	v4 =	vor.u32 $0x100, v15;
	[tilespmem:s10+$0x80] =	vst v6  }
0x6f: {  	s17 =	sor.u32 $0x30, s7;
	v6 =	vor.u32 $0x180, v10;
	[tilespmem:s2+$0x80] =	vst v7;
	v17 =	vld.idx.msk [tilespmem:v5+s18+$0x0], $0xffff  }
0x70: {  	s20 =	sor.u32 $0x20, s7;
	s15 =	sor.u32 s12, s17;
	v7 =	vld.idx.msk [tilespmem:v8+s18+$0x0], $0xffff;
	v8 =	vor.u32 $0x180, v16  }
0x71: {  	s16 =	sor.u32 s12, s20;
	v19 =	vld [tilespmem:s15+$0x3D00]  }
0x72: {  	v20 =	vld [tilespmem:s16+$0x3D00];
	[tilespmem:s0+$0x80] =	vst v9  }
0x73: {  	[tilespmem:s13+$0x100] =	vst v3;
	v3 =	vor.u32 $0x180, v14;
	v4 =	vld.idx.msk [tilespmem:v4+s18+$0x0], $0xffff  }
0x74: {  	s22 =	sor.u32 $0x10, s7;
	v9 =	vor.u32 $0x180, v15;
	v6 =	vld.idx.msk [tilespmem:v6+s18+$0x0], $0xffff;
	[tilespmem:s10+$0x100] =	vst v17  }
0x75: {  	s23 =	sor.u32 s12, s22;
	v17 =	vor.u32 $0x200, v10;
	v8 =	vld.idx.msk [tilespmem:v8+s18+$0x0], $0xffff  }
0x76: {  	v25 =	vld [tilespmem:s23+$0x3D00]  }
0x77: {  	v2 =	vld [tilespmem:s15+$0x5D00];
	[tilespmem:s2+$0x100] =	vst v7;
	v7 =	vor.u32 $0x200, v16  }
0x78: {  	v3 =	vld.idx.msk [tilespmem:v3+s18+$0x0], $0xffff;
	[tilespmem:s0+$0x100] =	vst v4  }
0x79: {  	v4 =	vor.u32 $0x200, v14;
	[tilespmem:s13+$0x180] =	vst v6;
	v9 =	vld.idx.msk [tilespmem:v9+s18+$0x0], $0xffff  }
0x7a: {  	v17 =	vld.idx.msk [tilespmem:v17+s18+$0x0], $0xffff;
	[tilespmem:s10+$0x180] =	vst v8;
	v8 =	vor.u32 $0x200, v15  }
0x7b: {  	v21 =	vor.u32 $0x280, v10;
	v5 =	vld [tilespmem:s16+$0x5D00]  }
0x7c: {  	v23 =	vshll.u32 v19, $0x3;
	v7 =	vld.idx.msk [tilespmem:v7+s18+$0x0], $0xffff  }
0x7d: {  	v6 =	vld [tilespmem:s23+$0x5D00];
	[tilespmem:s2+$0x180] =	vst v3;
	v3 =	vand.u32 $0x7F, v19;
	v19 =	vand.u32 $0xFFFFFC00, v23;
	v23 =	vor.u32 $0x280, v16  }
0x7e: {  	v24 =	vld.idx.msk [tilespmem:v4+s18+$0x0], $0xffff;
	v4 =	vshll.u32 v20, $0x3;
	v3 =	vor.u32 v3, v19;
	[tilespmem:s0+$0x180] =	vst v9  }
0x7f: {  	v9 =	vand.u32 $0x7F, v20;
	v4 =	vand.u32 $0xFFFFFC00, v4;
	[tilespmem:s13+$0x200] =	vst v17;
	v17 =	vor.u32 $0x280, v14;
	v19 =	vld.idx.msk [tilespmem:v8+s18+$0x0], $0xffff  }
0x80: {  	v4 =	vor.u32 v9, v4;
	v20 =	vld.idx.msk [tilespmem:v21+s18+$0x0], $0xffff  }
0x81: {  	v9 =	vld [tilespmem:s14+$0x5D00];
	v8 =	vshll.u32 v22, $0x3;
	v21 =	vor.u32 $0x280, v15;
	[tilespmem:s10+$0x200] =	vst v7  }
0x82: {  	v7 =	vand.u32 $0x7F, v22;
	v8 =	vand.u32 $0xFFFFFC00, v8;
	v22 =	vor.u32 $0x300, v10;
	v23 =	vld.idx.msk [tilespmem:v23+s18+$0x0], $0xffff  }
0x83: {  	v8 =	vor.u32 v7, v8;
	v7 =	vshll.u32 v25, $0x3;
	v26 =	vld.idx.msk [tilespmem:v3+s18+$0x0], $0xffff;
	[tilespmem:s2+$0x200] =	vst v24  }
0x84: {  	v24 =	vand.u32 $0x7F, v25;
	v7 =	vand.u32 $0xFFFFFC00, v7;
	v25 =	vor.u32 $0x300, v16;
	v17 =	vld.idx.msk [tilespmem:v17+s18+$0x0], $0xffff  }
0x85: {  	s24 =	simm.s32 $0x200;
	v7 =	vor.u32 v24, v7;
	v24 =	vld.idx.msk [tilespmem:v4+s18+$0x0], $0xffff;
	[tilespmem:s0+$0x200] =	vst v19  }
0x86: {  	s14 =	sand.u32 $0x3FFFFC00, s24;
	[tilespmem:s13+$0x280] =	vst v20;
	v19 =	vor.u32 $0x300, v14;
	v20 =	vld.idx.msk [tilespmem:v21+s18+$0x0], $0xffff  }
0x87: {  	s26 =	sadd.s32 $0x7D00, s14;
	v21 =	vor.u32 $0x80, v3;
	v22 =	vld.idx.msk [tilespmem:v22+s18+$0x0], $0xffff  }
0x88: {  	s14 =	sor.u32 s17, s26;
	v27 =	vld.idx.msk [tilespmem:v8+s18+$0x0], $0xffff;
	[tilespmem:s10+$0x280] =	vst v23;
	v23 =	vor.u32 $0x300, v15  }
0x89: {  	v28 =	vor.u32 $0x380, v10;
	v25 =	vld.idx.msk [tilespmem:v25+s18+$0x0], $0xffff;
	[tilespmem:s14+$0x0] =	vst v26  }
0x8a: {  	v13 =	vsub.s32 v13, v0;
	v29 =	vor.u32 $0x80, v8;
	v30 =	vld.idx.msk [tilespmem:v7+s18+$0x0], $0xffff;
	[tilespmem:s2+$0x280] =	vst v17  }
0x8b: {  	v12 =	vsub.s32 v12, v0;
	vm0 =	vgt.s32 v13, $0x0;
	v26 =	vor.u32 $0x380, v16;
	v19 =	vld.idx.msk [tilespmem:v19+s18+$0x0], $0xffff;
	[tilespmem:s0+$0x280] =	vst v20  }
0x8c: {  	vm14 =	vgt.s32 v12, $0x0;
	s7 =	sor.u32 s7, s26;
	v31 =	vor.u32 $0x80, v7;
	v17 =	vld.idx.msk [tilespmem:v21+s18+$0x0], $0xffff;
	[tilespmem:s13+$0x300] =	vst v22;
	v20 =	vnsel vm0, $0x0, v13  }
0x8d: {  	v62 =	vor.u32 $0x380, v15;
	v21 =	vor.u32 $0x380, v14;
	v22 =	vld.idx.msk [tilespmem:v23+s18+$0x0], $0xffff;
	[tilespmem:s7+$0x0] =	vst v27;
	v20 =	vmin.u32 v20, $0x7  }
0x8e: {  	v23 =	vor.u32 $0x80, v4;
	v27 =	vld.idx.msk [tilespmem:v28+s18+$0x0], $0xffff;
	v20 =	vshll.u32 v20, $0x7;
	[tilespmem:s10+$0x300] =	vst v25;
	v25 =	vnsel vm14, $0x0, v12  }
0x8f: {  	s8 =	sor.u32 s22, s26;
	v61 =	vld.idx.msk [tilespmem:v29+s18+$0x0], $0xffff;
	v20 =	vor.u32 v20, v10;
	v10 =	vsub.s32 v11, v0;
	v11 =	vsub.s32 v18, v0  }
0x90: {  	[tilespmem:s8+$0x0] =	vst v30;
	v26 =	vld.idx.msk [tilespmem:v26+s18+$0x0], $0xffff;
	v25 =	vmin.u32 v25, $0x7;
	vm15 =	vgt.s32 v11, $0x0  }
0x91: {  	s12 =	sor.u32 s20, s26;
	v63 =	vor.u32 $0x100, v8;
	v31 =	vld.idx.msk [tilespmem:v31+s18+$0x0], $0xffff;
	v25 =	vshll.u32 v25, $0x7;
	[tilespmem:s2+$0x300] =	vst v19;
	v19 =	vnsel vm15, $0x0, v11  }
0x92: {  	[tilespmem:s12+$0x0] =	vst v24;
	vm1 =	vgt.s32 v10, $0x0;
	v25 =	vor.u32 v25, v16;
	v18 =	vld.idx.msk [tilespmem:v21+s18+$0x0], $0xffff;
	v19 =	vmin.u32 v19, $0x7  }
0x93: {  	v21 =	vld.idx.msk [tilespmem:v23+s18+$0x0], $0xffff;
	[tilespmem:s0+$0x300] =	vst v22;
	v22 =	vnsel vm1, $0x0, v10;
	v23 =	vor.u32 $0x100, v7;
	v19 =	vshll.u32 v19, $0x7  }
0x94: {  	[tilespmem:s13+$0x380] =	vst v27;
	v16 =	vld.idx.msk [tilespmem:v62+s18+$0x0], $0xffff;
	v22 =	vmin.u32 v22, $0x7;
	v19 =	vor.u32 v19, v14  }
0x95: {  	v24 =	vor.u32 $0x100, v4;
	[tilespmem:s7+$0x80] =	vst v61;
	v20 =	vld.idx.msk [tilespmem:v20+s18+$0x0], $0xffff;
	v27 =	vshll.u32 v22, $0x7  }
0x96: {  	v22 =	vld.idx.msk [tilespmem:v63+s18+$0x0], $0xffff;
	[tilespmem:s10+$0x380] =	vst v26;
	v15 =	vor.u32 v27, v15  }
0x97: {  	s31 =	sshll.u32 s30, $0x1;
	s10 =	simm.s32 $0x4;
	[tilespmem:s8+$0x80] =	vst v31;
	v14 =	vld.idx.msk [tilespmem:v25+s18+$0x0], $0xffff  }
.LBB2_14:
0x98: {  	s10 =	sadd.s32 $0x4, s10;
	v23 =	vld.idx.msk [tilespmem:v23+s18+$0x0], $0xffff;
	v25 =	vor.u32 $0x100, v3;
	s6 =	sadd.s32 $0x40, s6;
	[tilespmem:s2+$0x380] =	vst v18;
	s2 =	smov.u32 s12  }
0x99: {  	v18 =	vor.u32 $0x180, v8;
	s13 =	sand.u32 $0x40, s6;
	s12 =	sshll.u32 s10, $0x5;
	p1 =	slt.u32 s10, $0xFC;
	[tilespmem:s2+$0x80] =	vst v21;
	v19 =	vld.idx.msk [tilespmem:v19+s18+$0x0], $0xffff  }
0x9a: {  	vm0 =	vlt.u32 v13, $0x8;
	s17 =	sand.u32 $0xFFFFFF00, s12;
	s15 =	sor.u32 $0x30, s13;
	v21 =	vld.idx.msk [tilespmem:v24+s18+$0x0], $0xffff;
	[tilespmem:s0+$0x380] =	vst v16;
	s0 =	smov.u32 s14  }
0x9b: {  	v13 =	vor.u32 $0x180, v7;
	v16 =	vnsel vm0, $0x0, v20;
	s14 =	sor.u32 s17, s15;
	v20 =	vld.idx.msk [tilespmem:v15+s18+$0x0], $0xffff  }
0x9c: {  	vm0 =	vlt.u32 v12, $0x8;
	v1 =	vsub.f32 v1, v16;
	v15 =	vld [tilespmem:s14+$0x5D00];
	[tilespmem:s0+$0x80] =	vst v17  }
0x9d: {  	s12 =	sor.u32 $0x20, s13;
	v12 =	vor.u32 $0x180, v4;
	v14 =	vnsel vm0, $0x0, v14;
	[tilespmem:s7+$0x100] =	vst v22;
	v16 =	vld.idx.msk [tilespmem:v25+s18+$0x0], $0xffff  }
0x9e: {  	s16 =	sor.u32 s17, s12;
	vm0 =	vlt.u32 v11, $0x8;
	v1 =	vsub.f32 v1, v14;
	v17 =	vld.idx.msk [tilespmem:v18+s18+$0x0], $0xffff  }
0x9f: {  	v11 =	vor.u32 $0x180, v3;
	v14 =	vnsel vm0, $0x0, v19;
	v18 =	vld [tilespmem:s16+$0x5D00];
	[tilespmem:s8+$0x100] =	vst v23  }
0xa0: {  	v19 =	vor.u32 $0x200, v8;
	vm0 =	vlt.u32 v10, $0x8;
	v1 =	vsub.f32 v1, v14;
	v13 =	vld.idx.msk [tilespmem:v13+s18+$0x0], $0xffff  }
0xa1: {  	v14 =	vnsel vm0, $0x0, v20;
	v10 =	vld [tilespmem:s14+$0x3D00];
	[tilespmem:s2+$0x100] =	vst v21  }
0xa2: {  	v20 =	vor.u32 $0x200, v7;
	v1 =	vsub.f32 v1, v14;
	v12 =	vld.idx.msk [tilespmem:v12+s18+$0x0], $0xffff  }
0xa3: {  	v21 =	vld [tilespmem:s16+$0x3D00];
	[tilespmem:s0+$0x100] =	vst v16  }
0xa4: {  	v14 =	vor.u32 $0x200, v4;
	s16 =	sor.u32 $0x10, s13;
	[tilespmem:s7+$0x180] =	vst v17;
	v11 =	vld.idx.msk [tilespmem:v11+s18+$0x0], $0xffff  }
0xa5: {  	s14 =	sor.u32 s17, s16;
	v16 =	vld.idx.msk [tilespmem:v19+s18+$0x0], $0xffff  }
0xa6: {  	v19 =	vld [tilespmem:s14+$0x5D00];
	[tilespmem:s8+$0x180] =	vst v13;
	v13 =	vor.u32 $0x200, v3  }
0xa7: {  	s17 =	sor.u32 s13, s17;
	v17 =	vor.u32 $0x280, v8;
	v20 =	vld.idx.msk [tilespmem:v20+s18+$0x0], $0xffff  }
0xa8: {  	v23 =	vshll.u32 v10, $0x3;
	v22 =	vld [tilespmem:s17+$0x3D00];
	[tilespmem:s2+$0x180] =	vst v12  }
0xa9: {  	v10 =	vand.u32 $0x7F, v10;
	v12 =	vand.u32 $0xFFFFFC00, v23;
	v23 =	vor.u32 $0x280, v7;
	v24 =	vld.idx.msk [tilespmem:v14+s18+$0x0], $0xffff  }
0xaa: {  	v26 =	vshll.u32 v21, $0x3;
	v14 =	vor.u32 v10, v12;
	v25 =	vld [tilespmem:s14+$0x3D00];
	[tilespmem:s0+$0x180] =	vst v11  }
0xab: {  	v10 =	vand.u32 $0x7F, v21;
	v12 =	vor.u32 $0x280, v4;
	v11 =	vand.u32 $0xFFFFFC00, v26;
	[tilespmem:s7+$0x200] =	vst v16;
	v13 =	vld.idx.msk [tilespmem:v13+s18+$0x0], $0xffff  }
0xac: {  	v26 =	vor.u32 v10, v11;
	v10 =	vld.idx.msk [tilespmem:v17+s18+$0x0], $0xffff  }
0xad: {  	v17 =	vor.u32 $0x280, v3;
	v16 =	vld [tilespmem:s17+$0x5D00];
	v11 =	vshll.u32 v22, $0x3;
	[tilespmem:s8+$0x200] =	vst v20  }
0xae: {  	v21 =	vor.u32 $0x300, v8;
	v20 =	vand.u32 $0x7F, v22;
	v11 =	vand.u32 $0xFFFFFC00, v11;
	v22 =	vld.idx.msk [tilespmem:v23+s18+$0x0], $0xffff  }
0xaf: {  	v20 =	vor.u32 v20, v11;
	v11 =	vshll.u32 v25, $0x3;
	v23 =	vld.idx.msk [tilespmem:v14+s18+$0x0], $0xffff;
	[tilespmem:s2+$0x200] =	vst v24  }
0xb0: {  	v24 =	vand.u32 $0x7F, v25;
	v25 =	vor.u32 $0x300, v7;
	v11 =	vand.u32 $0xFFFFFC00, v11;
	v12 =	vld.idx.msk [tilespmem:v12+s18+$0x0], $0xffff  }
0xb1: {  	v24 =	vor.u32 v24, v11;
	v27 =	vld.idx.msk [tilespmem:v26+s18+$0x0], $0xffff;
	[tilespmem:s0+$0x200] =	vst v13  }
0xb2: {  	[tilespmem:s7+$0x280] =	vst v10;
	v10 =	vor.u32 $0x300, v4;
	v28 =	vld.idx.msk [tilespmem:v17+s18+$0x0], $0xffff  }
0xb3: {  	s14 =	sshll.u32 s10, $0x7;
	v11 =	vor.u32 $0x80, v14;
	v21 =	vld.idx.msk [tilespmem:v21+s18+$0x0], $0xffff  }
0xb4: {  	s14 =	sand.u32 $0x3FFFFC00, s14;
	v29 =	vld.idx.msk [tilespmem:v20+s18+$0x0], $0xffff;
	[tilespmem:s8+$0x280] =	vst v22;
	v22 =	vor.u32 $0x300, v3  }
0xb5: {  	v30 =	vor.u32 $0x380, v8;
	s17 =	sadd.s32 $0x7D00, s14;
	v25 =	vld.idx.msk [tilespmem:v25+s18+$0x0], $0xffff  }
0xb6: {  	s14 =	sor.u32 s15, s17;
	v31 =	vor.u32 $0x80, v20;
	v32 =	vld.idx.msk [tilespmem:v24+s18+$0x0], $0xffff;
	[tilespmem:s2+$0x280] =	vst v12  }
0xb7: {  	v13 =	vsub.s32 v9, v0;
	[tilespmem:s14+$0x0] =	vst v23;
	v23 =	vor.u32 $0x380, v7;
	v33 =	vld.idx.msk [tilespmem:v10+s18+$0x0], $0xffff;
	v10 =	vsub.s32 v2, v0  }
0xb8: {  	v34 =	vor.u32 $0x80, v24;
	vm0 =	vgt.s32 v13, $0x0;
	v2 =	vmovc v15;
	v17 =	vld.idx.msk [tilespmem:v11+s18+$0x0], $0xffff;
	v11 =	vsub.s32 v5, v0;
	[tilespmem:s0+$0x280] =	vst v28  }
0xb9: {  	s13 =	sor.u32 s13, s17;
	v35 =	vnsel vm0, $0x0, v13;
	v12 =	vsub.s32 v6, v0;
	v15 =	vor.u32 $0x380, v4;
	v5 =	vmovc v18;
	[tilespmem:s7+$0x300] =	vst v21;
	v22 =	vld.idx.msk [tilespmem:v22+s18+$0x0], $0xffff  }
0xba: {  	v9 =	vmovc v16;
	v6 =	vmovc v19;
	vm0 =	vgt.s32 v12, $0x0;
	v18 =	vmin.u32 v35, $0x7;
	v21 =	vor.u32 $0x80, v26;
	[tilespmem:s13+$0x0] =	vst v29;
	v28 =	vld.idx.msk [tilespmem:v30+s18+$0x0], $0xffff  }
0xbb: {  	s15 =	sor.u32 s16, s17;
	v16 =	vshll.u32 v18, $0x7;
	v18 =	vnsel vm0, $0x0, v12;
	v29 =	vld.idx.msk [tilespmem:v31+s18+$0x0], $0xffff;
	[tilespmem:s8+$0x300] =	vst v25;
	v25 =	vor.u32 $0x380, v3  }
0xbc: {  	vm0 =	vgt.s32 v11, $0x0;
	v30 =	vor.u32 v16, v8;
	v16 =	vmin.u32 v18, $0x7;
	v8 =	vmovc v20;
	[tilespmem:s15+$0x0] =	vst v32;
	v31 =	vld.idx.msk [tilespmem:v23+s18+$0x0], $0xffff  }
0xbd: {  	s12 =	sor.u32 s12, s17;
	v19 =	vnsel vm0, $0x0, v11;
	v16 =	vshll.u32 v16, $0x7;
	v32 =	vor.u32 $0x100, v8;
	v34 =	vld.idx.msk [tilespmem:v34+s18+$0x0], $0xffff;
	[tilespmem:s2+$0x300] =	vst v33  }
0xbe: {  	vm0 =	vgt.s32 v10, $0x0;
	[tilespmem:s12+$0x0] =	vst v27;
	v27 =	vor.u32 v16, v7;
	v18 =	vld.idx.msk [tilespmem:v15+s18+$0x0], $0xffff;
	v15 =	vmin.u32 v19, $0x7;
	v7 =	vmovc v24  }
.Ltmp5:
0xbf: {  	v20 =	vnsel vm0, $0x0, v10;
	v23 =	vor.u32 $0x100, v7;
	v21 =	vld.idx.msk [tilespmem:v21+s18+$0x0], $0xffff;
	v15 =	vshll.u32 v15, $0x7;
	[tilespmem:s0+$0x300] =	vst v22;
	(pc) =	sbr.rel @p1 .LBB2_14-.Ltmp5, $4  }
0xc0: {  	[tilespmem:s7+$0x380] =	vst v28;
	v19 =	vor.u32 v15, v4;
	v16 =	vld.idx.msk [tilespmem:v25+s18+$0x0], $0xffff;
	v15 =	vmin.u32 v20, $0x7;
	v4 =	vmov v26;
	s7 =	smov.u32 s13  }
0xc1: {  	[tilespmem:s7+$0x80] =	vst v29;
	v24 =	vor.u32 $0x100, v4;
	v20 =	vld.idx.msk [tilespmem:v30+s18+$0x0], $0xffff;
	v15 =	vshll.u32 v15, $0x7  }
0xc2: {  	v22 =	vld.idx.msk [tilespmem:v32+s18+$0x0], $0xffff;
	[tilespmem:s8+$0x380] =	vst v31;
	v15 =	vor.u32 v15, v3;
	v3 =	vmov v14;
	s8 =	smov.u32 s15  }
0xc3: {  	[tilespmem:s8+$0x80] =	vst v34;
	v14 =	vld.idx.msk [tilespmem:v27+s18+$0x0], $0xffff  }
0xc4: {  	_ =	sdelay $0x1  }
0xc5: {  	v25 =	vor.u32 $0x100, v3  }
0xc6: {  	v26 =	vor.u32 $0x180, v8  }
0xc7: {  	v23 =	vld.idx.msk [tilespmem:v23+s18+$0x0], $0xffff  }
0xc8: {  	[tilespmem:s12+$0x80] =	vst v21;
	v58 =	vor.u32 $0x180, v7  }
0xc9: {  	[tilespmem:s14+$0x80] =	vst v17;
	v24 =	vld.idx.msk [tilespmem:v24+s18+$0x0], $0xffff  }
0xca: {  	v59 =	vor.u32 $0x180, v4;
	[tilespmem:s7+$0x100] =	vst v22;
	v60 =	vld.idx.msk [tilespmem:v25+s18+$0x0], $0xffff  }
0xcb: {  	v62 =	vor.u32 $0x180, v3;
	v61 =	vld.idx.msk [tilespmem:v26+s18+$0x0], $0xffff  }
0xcc: {  	v63 =	vor.u32 $0x200, v8;
	[tilespmem:s8+$0x100] =	vst v23  }
0xcd: {  	v21 =	vld.idx.msk [tilespmem:v58+s18+$0x0], $0xffff  }
0xce: {  	v28 =	vor.u32 $0x200, v7;
	[tilespmem:s12+$0x100] =	vst v24  }
0xcf: {  	v17 =	vld.idx.msk [tilespmem:v59+s18+$0x0], $0xffff;
	[tilespmem:s14+$0x100] =	vst v60  }
0xd0: {  	v29 =	vor.u32 $0x200, v4;
	[tilespmem:s7+$0x180] =	vst v61;
	v30 =	vld.idx.msk [tilespmem:v62+s18+$0x0], $0xffff  }
0xd1: {  	v31 =	vor.u32 $0x200, v3;
	v23 =	vld.idx.msk [tilespmem:v63+s18+$0x0], $0xffff  }
0xd2: {  	v32 =	vor.u32 $0x280, v8;
	[tilespmem:s8+$0x180] =	vst v21  }
0xd3: {  	v24 =	vld.idx.msk [tilespmem:v28+s18+$0x0], $0xffff  }
0xd4: {  	v33 =	vor.u32 $0x280, v7;
	[tilespmem:s12+$0x180] =	vst v17  }
0xd5: {  	v22 =	vld.idx.msk [tilespmem:v29+s18+$0x0], $0xffff;
	[tilespmem:s14+$0x180] =	vst v30  }
0xd6: {  	v34 =	vor.u32 $0x280, v4;
	[tilespmem:s7+$0x200] =	vst v23;
	v25 =	vld.idx.msk [tilespmem:v31+s18+$0x0], $0xffff  }
0xd7: {  	v35 =	vor.u32 $0x280, v3;
	v21 =	vld.idx.msk [tilespmem:v32+s18+$0x0], $0xffff  }
0xd8: {  	v36 =	vor.u32 $0x300, v8;
	[tilespmem:s8+$0x200] =	vst v24  }
0xd9: {  	v17 =	vld.idx.msk [tilespmem:v33+s18+$0x0], $0xffff  }
0xda: {  	v37 =	vor.u32 $0x300, v7;
	[tilespmem:s12+$0x200] =	vst v22  }
0xdb: {  	v23 =	vld.idx.msk [tilespmem:v34+s18+$0x0], $0xffff;
	[tilespmem:s14+$0x200] =	vst v25  }
0xdc: {  	v38 =	vor.u32 $0x300, v4;
	[tilespmem:s7+$0x280] =	vst v21;
	v25 =	vld.idx.msk [tilespmem:v35+s18+$0x0], $0xffff  }
0xdd: {  	v39 =	vor.u32 $0x300, v3;
	v24 =	vld.idx.msk [tilespmem:v36+s18+$0x0], $0xffff  }
0xde: {  	v40 =	vor.u32 $0x380, v8;
	[tilespmem:s8+$0x280] =	vst v17  }
0xdf: {  	vm0 =	vlt.u32 v13, $0x8;
	v9 =	vsub.s32 v9, v0;
	v43 =	vor.u32 $0x380, v7;
	v42 =	vld.idx.msk [tilespmem:v37+s18+$0x0], $0xffff  }
0xe0: {  	v5 =	vsub.s32 v5, v0;
	v6 =	vsub.s32 v6, v0;
	vm5 =	vgt.s32 v9, $0x0;
	[tilespmem:s12+$0x280] =	vst v23  }
0xe1: {  	v45 =	vor.u32 $0x380, v4;
	v49 =	vor.u32 $0x380, v3;
	v44 =	vnsel vm5, $0x0, v9;
	v21 =	vld.idx.msk [tilespmem:v38+s18+$0x0], $0xffff;
	[tilespmem:s14+$0x280] =	vst v25  }
0xe2: {  	v2 =	vsub.s32 v2, v0;
	vm6 =	vgt.s32 v6, $0x0;
	v22 =	vmin.u32 v44, $0x7;
	[tilespmem:s7+$0x300] =	vst v24;
	v46 =	vld.idx.msk [tilespmem:v39+s18+$0x0], $0xffff  }
0xe3: {  	[tilespmem:s2+$0x380] =	vst v18;
	vm9 =	vlt.u32 v12, $0x8;
	v48 =	vnsel vm6, $0x0, v6;
	v47 =	vshll.u32 v22, $0x7;
	v13 =	vld.idx.msk [tilespmem:v40+s18+$0x0], $0xffff  }
0xe4: {  	v19 =	vld.idx.msk [tilespmem:v19+s18+$0x0], $0xffff;
	vm7 =	vgt.s32 v5, $0x0;
	v51 =	vmin.u32 v48, $0x7;
	v50 =	vor.u32 v47, v8;
	[tilespmem:s8+$0x300] =	vst v42  }
0xe5: {  	[tilespmem:s0+$0x380] =	vst v16;
	vm8 =	vgt.s32 v2, $0x0;
	v54 =	vnsel vm7, $0x0, v5;
	v53 =	vshll.u32 v51, $0x7;
	v52 =	vld.idx.msk [tilespmem:v43+s18+$0x0], $0xffff  }
0xe6: {  	v41 =	vnsel vm0, $0x0, v20;
	v15 =	vld.idx.msk [tilespmem:v15+s18+$0x0], $0xffff;
	v56 =	vmin.u32 v54, $0x7;
	v55 =	vor.u32 v53, v7;
	[tilespmem:s12+$0x300] =	vst v21  }
0xe7: {  	v57 =	vnsel vm8, $0x0, v2;
	v1 =	vsub.f32 v1, v41;
	v17 =	vshll.u32 v56, $0x7;
	v58 =	vld.idx.msk [tilespmem:v45+s18+$0x0], $0xffff;
	[tilespmem:s14+$0x300] =	vst v46  }
0xe8: {  	v14 =	vnsel vm9, $0x0, v14;
	v61 =	vmin.u32 v57, $0x7;
	v59 =	vor.u32 v17, v4;
	[tilespmem:s7+$0x380] =	vst v13;
	v60 =	vld.idx.msk [tilespmem:v49+s18+$0x0], $0xffff  }
0xe9: {  	vm10 =	vlt.u32 v11, $0x8;
	v1 =	vsub.f32 v1, v14;
	v62 =	vshll.u32 v61, $0x7;
	v8 =	vld.idx.msk [tilespmem:v50+s18+$0x0], $0xffff  }
0xea: {  	v63 =	vnsel vm10, $0x0, v19;
	v3 =	vor.u32 v62, v3;
	[tilespmem:s8+$0x380] =	vst v52  }
0xeb: {  	vm11 =	vlt.u32 v10, $0x8;
	v1 =	vsub.f32 v1, v63;
	v7 =	vld.idx.msk [tilespmem:v55+s18+$0x0], $0xffff  }
0xec: {  	v10 =	vnsel vm11, $0x0, v15;
	[tilespmem:s12+$0x380] =	vst v58  }
0xed: {  	s0 =	sshll.u32 s30, $0x10;
	vm12 =	vlt.u32 v9, $0x8;
	v1 =	vsub.f32 v1, v10;
	v4 =	vld.idx.msk [tilespmem:v59+s18+$0x0], $0xffff  }
0xee: {  	s23 =	sadd.s32 s28, s0;
	[tilespmem:s14+$0x380] =	vst v60;
	v8 =	vnsel vm12, $0x0, v8  }
0xef: {  	s6 =	simm.s32 $0x0;
	vm13 =	vlt.u32 v6, $0x8;
	s2 =	sshrl.u32 s23, $0x3;
	v3 =	vld.idx.msk [tilespmem:v3+s18+$0x0], $0xffff;
	v1 =	vsub.f32 v1, v8  }
0xf0: {  	s24 =	simm.s32 $0x7D00;
	s26 =	sadd.s32 $0x2, s31;
	s2 =	sadd.s32 s1, s2;
	v6 =	vnsel vm13, $0x0, v7  }
0xf1: {  	vm14 =	vlt.u32 v5, $0x8;
	[hbm4b:s2+s6] =	stream.linear.scatter [tilespmem:s24], [sflag:$0x3], $0x8000, $0x38;
	v1 =	vsub.f32 v1, v6;
	[tilespmem:$0x17D00] =	vst v63  }
0xf2: {  	p1 =	seq.s32 s26, $0x32;
	s2 =	sshll.u32 s26, $0x9;
	v4 =	vnsel vm14, $0x0, v4  }
0xf3: {  	vm15 =	vlt.u32 v2, $0x8;
	s2 =	simm.s32 @p1 $0x0;
	v1 =	vsub.f32 v1, v4  }
0xf4: {  	s10 =	simm.s32 $0x3E00;
	s6 =	sadd.s32 s4, s2;
	v2 =	vnsel vm15, $0x0, v3  }
0xf5: {  	s7 =	simm.s32 $0x3D00;
	s8 =	simm.s32 $0x10;
	s12 =	sadd.s32 $0x0, s6;
	v1 =	vsub.f32 v1, v2  }
.LBB2_16:
0xf6: {  	[tilespmem:s7], [sflag:$0x1] =	stream.linear.gather [hbm4b:s12+s3], $0x80, $0x38;
	[tilespmem:$0x17D00] =	vst v63  }
0xf7: {  	s12 =	smov.u32 s8;
	s7 =	smov.u32 s10;
	p1 =	sne.s32 s8, $0x1F0  }
.Ltmp6:
0xf8: {  	s8 =	sadd.s32 $0x10, s8;
	(pc) =	sbr.rel @p1 .LBB2_16-.Ltmp6, $2  }
0xf9: {  	_ =	sdelay $0x2  }
0xfa: {  	s10 =	sadd.s32 $0x100, s10;
	s12 =	sadd.s32 s12, s6  }
0xfb: {  	[tilespmem:s7], [sflag:$0x1] =	stream.linear.gather [hbm4b:s12+s3], $0x80, $0x38;
	[tilespmem:$0x17D00] =	vst v63  }
0xfc: {  	s2 =	sadd.s32 s5, s2;
	s6 =	simm.s32 $0x5D00  }
0xfd: {  	s7 =	simm.s32 $0x10;
	s8 =	simm.s32 $0x5E00;
	s10 =	sadd.s32 $0x0, s2  }
.LBB2_18:
0xfe: {  	[tilespmem:s6], [sflag:$0x1] =	stream.linear.gather [hbm4b:s10+s3], $0x80, $0x38;
	[tilespmem:$0x17D00] =	vst v63  }
0xff: {  	s10 =	smov.u32 s7;
	s6 =	smov.u32 s8;
	p1 =	sne.s32 s7, $0x1F0  }
.Ltmp7:
0x100: {  	s7 =	sadd.s32 $0x10, s7;
	(pc) =	sbr.rel @p1 .LBB2_18-.Ltmp7, $2  }
0x101: {  	_ =	sdelay $0x2  }
0x102: {  	s8 =	sadd.s32 $0x100, s8;
	s10 =	sadd.s32 s10, s2  }
0x103: {  	[tilespmem:s6], [sflag:$0x1] =	stream.linear.gather [hbm4b:s10+s3], $0x80, $0x38;
	[tilespmem:$0x17D00] =	vst v63  }
0x104: {  	s2 =	simm.s32 @!p0 $0x4  }
0x105: {  	_ =	swait.ge @!p0 [sflag:s2], $0x8000  }
0x106: {  	[sflag:s2] =	ssyncset.done @!p0 $0x0  }
0x107: {  	[sflag:s2] =	ssyncadd.s32 @!p0 $0xFFFF8000  }
0x108: {  	_ =	swait.ge [sflag:s21], $0x1000  }
0x109: {  	[sflag:s21] =	ssyncset.done $0x0  }
0x10a: {  	[sflag:s21] =	ssyncadd.s32 $0xFFFFF000  }
0x10b: {  	s14 =	simm.s32 $0x0;
	s15 =	simm.s32 $0x0;
	_ =	swait.ge [sflag:s21], $0x1000  }
0x10c: {  	s12 =	sand.u32 $0x40, s14;
	s16 =	sand.u32 $0xFFFFFF00, s15;
	[sflag:s21] =	ssyncset.done $0x0  }
0x10d: {  	s7 =	sor.u32 s12, s16;
	[sflag:s21] =	ssyncadd.s32 $0xFFFFF000  }
0x10e: {  	s10 =	sor.u32 $0x10, s12;
	v2 =	vld [tilespmem:s7+$0x3D80]  }
0x10f: {  	s13 =	sor.u32 $0x20, s12;
	s8 =	sor.u32 s10, s16  }
0x110: {  	s14 =	sor.u32 s13, s16;
	v3 =	vld [tilespmem:s8+$0x3D80]  }
0x111: {  	s6 =	sor.u32 $0x30, s12;
	v4 =	vld [tilespmem:s14+$0x3D80]  }
0x112: {  	s2 =	sor.u32 s6, s16  }
0x113: {  	v5 =	vld [tilespmem:s2+$0x3D80];
	v6 =	vshll.u32 v2, $0x3  }
0x114: {  	v2 =	vand.u32 $0x7F, v2;
	v6 =	vand.u32 $0xFFFFFC00, v6  }
0x115: {  	v10 =	vor.u32 v2, v6;
	v2 =	vshll.u32 v3, $0x3  }
0x116: {  	v6 =	vshll.u32 v4, $0x3;
	v3 =	vand.u32 $0x7F, v3;
	v2 =	vand.u32 $0xFFFFFC00, v2  }
0x117: {  	v4 =	vand.u32 $0x7F, v4;
	v6 =	vand.u32 $0xFFFFFC00, v6;
	v16 =	vor.u32 v3, v2  }
0x118: {  	v2 =	vshll.u32 v5, $0x3;
	v14 =	vor.u32 v4, v6  }
0x119: {  	v11 =	vld [tilespmem:s2+$0x5D80];
	v3 =	vand.u32 $0x7F, v5;
	v2 =	vand.u32 $0xFFFFFC00, v2  }
0x11a: {  	v15 =	vor.u32 v3, v2;
	v2 =	vld.idx.msk [tilespmem:v10+s18+$0x0], $0xffff  }
0x11b: {  	s17 =	simm.s32 $0x0;
	v12 =	vld [tilespmem:s8+$0x5D80];
	v3 =	vor.u32 $0x80, v10  }
0x11c: {  	s23 =	sand.u32 $0x3FFFFC00, s17;
	v4 =	vld.idx.msk [tilespmem:v16+s18+$0x0], $0xffff  }
0x11d: {  	s2 =	sadd.s32 $0xFD00, s23;
	v6 =	vor.u32 $0x80, v16;
	v5 =	vld.idx.msk [tilespmem:v14+s18+$0x0], $0xffff  }
0x11e: {  	v13 =	vld [tilespmem:s7+$0x5D80];
	s20 =	sor.u32 s12, s2;
	v7 =	vor.u32 $0x80, v14  }
0x11f: {  	v8 =	vld.idx.msk [tilespmem:v15+s18+$0x0], $0xffff;
	[tilespmem:s20+$0x0] =	vst v2  }
0x120: {  	s22 =	sor.u32 s10, s2;
	v2 =	vor.u32 $0x80, v15;
	v3 =	vld.idx.msk [tilespmem:v3+s18+$0x0], $0xffff  }
0x121: {  	v18 =	vld [tilespmem:s14+$0x5D80];
	s24 =	sor.u32 s13, s2;
	[tilespmem:s22+$0x0] =	vst v4;
	v4 =	vor.u32 $0x100, v10  }
0x122: {  	[tilespmem:s24+$0x0] =	vst v5;
	v6 =	vld.idx.msk [tilespmem:v6+s18+$0x0], $0xffff  }
0x123: {  	s26 =	sadd.s32 $0xFD80, s23;
	s2 =	sor.u32 s6, s2;
	v5 =	vor.u32 $0x100, v16;
	s24 =	simm.s32 $0x40;
	v7 =	vld.idx.msk [tilespmem:v7+s18+$0x0], $0xffff  }
0x124: {  	s16 =	sor.u32 s12, s26;
	s22 =	simm.s32 $0x80;
	s14 =	sand.u32 $0x40, s24;
	[tilespmem:s2+$0x0] =	vst v8;
	v8 =	vor.u32 $0x100, v14  }
0x125: {  	s2 =	sor.u32 $0x30, s14;
	v9 =	vld.idx.msk [tilespmem:v2+s18+$0x0], $0xffff;
	[tilespmem:s16+$0x0] =	vst v3;
	s16 =	sand.u32 $0xFFFFFF00, s22  }
0x126: {  	s17 =	sor.u32 s10, s26;
	v3 =	vld.idx.msk [tilespmem:v4+s18+$0x0], $0xffff;
	s15 =	sor.u32 s2, s16  }
0x127: {  	s20 =	sor.u32 s13, s26;
	v4 =	vor.u32 $0x100, v15;
	[tilespmem:s17+$0x0] =	vst v6;
	v2 =	vld [tilespmem:s15+$0x5D80]  }
0x128: {  	v6 =	vor.u32 $0x180, v10;
	[tilespmem:s20+$0x0] =	vst v7;
	v17 =	vld.idx.msk [tilespmem:v5+s18+$0x0], $0xffff  }
0x129: {  	s7 =	sor.u32 s6, s26;
	s8 =	sor.u32 $0x20, s14;
	v7 =	vld.idx.msk [tilespmem:v8+s18+$0x0], $0xffff;
	v8 =	vor.u32 $0x180, v16  }
0x12a: {  	s17 =	sadd.s32 $0xFE00, s23;
	v19 =	vld [tilespmem:s15+$0x3D80];
	[tilespmem:s7+$0x0] =	vst v9;
	s7 =	sor.u32 s8, s16  }
0x12b: {  	s20 =	sor.u32 s12, s17;
	v5 =	vld [tilespmem:s7+$0x5D80]  }
0x12c: {  	s26 =	sor.u32 s10, s17;
	[tilespmem:s20+$0x0] =	vst v3;
	v3 =	vor.u32 $0x180, v14;
	v4 =	vld.idx.msk [tilespmem:v4+s18+$0x0], $0xffff  }
0x12d: {  	v9 =	vor.u32 $0x180, v15;
	v6 =	vld.idx.msk [tilespmem:v6+s18+$0x0], $0xffff;
	[tilespmem:s26+$0x0] =	vst v17  }
0x12e: {  	s15 =	sor.u32 $0x10, s14;
	v17 =	vor.u32 $0x200, v10;
	v8 =	vld.idx.msk [tilespmem:v8+s18+$0x0], $0xffff  }
0x12f: {  	s22 =	sor.u32 s13, s17;
	v20 =	vld [tilespmem:s7+$0x3D80];
	s7 =	sor.u32 s15, s16;
	s16 =	sor.u32 s14, s16  }
0x130: {  	s20 =	sadd.s32 $0xFE80, s23;
	v22 =	vld [tilespmem:s16+$0x3D80];
	[tilespmem:s22+$0x0] =	vst v7;
	v7 =	vor.u32 $0x200, v16;
	s26 =	sor.u32 s6, s17  }
0x131: {  	s17 =	sor.u32 s12, s20;
	v3 =	vld.idx.msk [tilespmem:v3+s18+$0x0], $0xffff;
	[tilespmem:s26+$0x0] =	vst v4  }
0x132: {  	s22 =	sor.u32 s10, s20;
	v4 =	vor.u32 $0x200, v14;
	[tilespmem:s17+$0x0] =	vst v6;
	v9 =	vld.idx.msk [tilespmem:v9+s18+$0x0], $0xffff  }
0x133: {  	v17 =	vld.idx.msk [tilespmem:v17+s18+$0x0], $0xffff;
	[tilespmem:s22+$0x0] =	vst v8;
	v8 =	vor.u32 $0x200, v15  }
0x134: {  	v21 =	vor.u32 $0x280, v10;
	v25 =	vld [tilespmem:s7+$0x3D80]  }
0x135: {  	v23 =	vshll.u32 v19, $0x3;
	s26 =	sor.u32 s13, s20;
	v7 =	vld.idx.msk [tilespmem:v7+s18+$0x0], $0xffff  }
0x136: {  	s20 =	sor.u32 s6, s20;
	v6 =	vld [tilespmem:s7+$0x5D80];
	s17 =	sadd.s32 $0xFF00, s23;
	[tilespmem:s26+$0x0] =	vst v3;
	v3 =	vand.u32 $0x7F, v19;
	v19 =	vand.u32 $0xFFFFFC00, v23;
	v23 =	vor.u32 $0x280, v16  }
0x137: {  	s22 =	sor.u32 s12, s17;
	v24 =	vld.idx.msk [tilespmem:v4+s18+$0x0], $0xffff;
	v4 =	vshll.u32 v20, $0x3;
	v3 =	vor.u32 v3, v19;
	[tilespmem:s20+$0x0] =	vst v9  }
0x138: {  	v9 =	vand.u32 $0x7F, v20;
	v4 =	vand.u32 $0xFFFFFC00, v4;
	[tilespmem:s22+$0x0] =	vst v17;
	v17 =	vor.u32 $0x280, v14;
	v19 =	vld.idx.msk [tilespmem:v8+s18+$0x0], $0xffff  }
0x139: {  	s26 =	sor.u32 s10, s17;
	v4 =	vor.u32 v9, v4;
	v20 =	vld.idx.msk [tilespmem:v21+s18+$0x0], $0xffff  }
0x13a: {  	v9 =	vld [tilespmem:s16+$0x5D80];
	v8 =	vshll.u32 v22, $0x3;
	v21 =	vor.u32 $0x280, v15;
	[tilespmem:s26+$0x0] =	vst v7  }
0x13b: {  	s20 =	sor.u32 s13, s17;
	v7 =	vand.u32 $0x7F, v22;
	v8 =	vand.u32 $0xFFFFFC00, v8;
	v22 =	vor.u32 $0x300, v10;
	v23 =	vld.idx.msk [tilespmem:v23+s18+$0x0], $0xffff  }
0x13c: {  	v8 =	vor.u32 v7, v8;
	v7 =	vshll.u32 v25, $0x3;
	v26 =	vld.idx.msk [tilespmem:v3+s18+$0x0], $0xffff;
	[tilespmem:s20+$0x0] =	vst v24  }
0x13d: {  	s22 =	sor.u32 s6, s17;
	s16 =	sadd.s32 $0xFF80, s23;
	v24 =	vand.u32 $0x7F, v25;
	v7 =	vand.u32 $0xFFFFFC00, v7;
	v25 =	vor.u32 $0x300, v16;
	v17 =	vld.idx.msk [tilespmem:v17+s18+$0x0], $0xffff  }
0x13e: {  	s26 =	sor.u32 s12, s16;
	s20 =	simm.s32 $0x200;
	v7 =	vor.u32 v24, v7;
	v24 =	vld.idx.msk [tilespmem:v4+s18+$0x0], $0xffff;
	[tilespmem:s22+$0x0] =	vst v19  }
0x13f: {  	s7 =	sand.u32 $0x3FFFFC00, s20;
	[tilespmem:s26+$0x0] =	vst v20;
	v19 =	vor.u32 $0x300, v14;
	v20 =	vld.idx.msk [tilespmem:v21+s18+$0x0], $0xffff  }
0x140: {  	s22 =	sor.u32 s10, s16;
	s17 =	sadd.s32 $0xFD00, s7;
	v21 =	vor.u32 $0x80, v3;
	v22 =	vld.idx.msk [tilespmem:v22+s18+$0x0], $0xffff  }
0x141: {  	v27 =	vld.idx.msk [tilespmem:v8+s18+$0x0], $0xffff;
	[tilespmem:s22+$0x0] =	vst v23;
	v23 =	vor.u32 $0x300, v15;
	s22 =	sor.u32 s2, s17  }
0x142: {  	v28 =	vor.u32 $0x380, v10;
	s26 =	sor.u32 s13, s16;
	v25 =	vld.idx.msk [tilespmem:v25+s18+$0x0], $0xffff;
	[tilespmem:s22+$0x0] =	vst v26  }
0x143: {  	v13 =	vsub.s32 v13, v0;
	v29 =	vor.u32 $0x80, v8;
	s20 =	sadd.s32 $0x10000, s23;
	s16 =	sor.u32 s6, s16;
	v30 =	vld.idx.msk [tilespmem:v7+s18+$0x0], $0xffff;
	[tilespmem:s26+$0x0] =	vst v17  }
0x144: {  	v12 =	vsub.s32 v12, v0;
	vm0 =	vgt.s32 v13, $0x0;
	v26 =	vor.u32 $0x380, v16;
	s22 =	sor.u32 s12, s20;
	v19 =	vld.idx.msk [tilespmem:v19+s18+$0x0], $0xffff;
	[tilespmem:s16+$0x0] =	vst v20  }
0x145: {  	vm14 =	vgt.s32 v12, $0x0;
	v31 =	vor.u32 $0x80, v7;
	s26 =	sor.u32 s14, s17;
	v17 =	vld.idx.msk [tilespmem:v21+s18+$0x0], $0xffff;
	[tilespmem:s22+$0x0] =	vst v22;
	v20 =	vnsel vm0, $0x0, v13  }
0x146: {  	v62 =	vor.u32 $0x380, v15;
	v21 =	vor.u32 $0x380, v14;
	s22 =	sor.u32 s10, s20;
	v22 =	vld.idx.msk [tilespmem:v23+s18+$0x0], $0xffff;
	[tilespmem:s26+$0x0] =	vst v27;
	v20 =	vmin.u32 v20, $0x7  }
0x147: {  	v23 =	vor.u32 $0x80, v4;
	v27 =	vld.idx.msk [tilespmem:v28+s18+$0x0], $0xffff;
	v20 =	vshll.u32 v20, $0x7;
	[tilespmem:s22+$0x0] =	vst v25;
	v25 =	vnsel vm14, $0x0, v12  }
0x148: {  	s26 =	sor.u32 s15, s17;
	v61 =	vld.idx.msk [tilespmem:v29+s18+$0x0], $0xffff;
	v20 =	vor.u32 v20, v10;
	v10 =	vsub.s32 v11, v0;
	v11 =	vsub.s32 v18, v0  }
0x149: {  	[tilespmem:s26+$0x0] =	vst v30;
	v26 =	vld.idx.msk [tilespmem:v26+s18+$0x0], $0xffff;
	v25 =	vmin.u32 v25, $0x7;
	s26 =	sor.u32 s13, s20;
	vm15 =	vgt.s32 v11, $0x0  }
0x14a: {  	v63 =	vor.u32 $0x100, v8;
	s17 =	sor.u32 s8, s17;
	v31 =	vld.idx.msk [tilespmem:v31+s18+$0x0], $0xffff;
	v25 =	vshll.u32 v25, $0x7;
	[tilespmem:s26+$0x0] =	vst v19;
	v19 =	vnsel vm15, $0x0, v11  }
0x14b: {  	s23 =	sadd.s32 $0x10080, s23;
	[tilespmem:s17+$0x0] =	vst v24;
	s20 =	sor.u32 s6, s20;
	vm1 =	vgt.s32 v10, $0x0;
	v25 =	vor.u32 v25, v16;
	v16 =	vld.idx.msk [tilespmem:v21+s18+$0x0], $0xffff;
	v19 =	vmin.u32 v19, $0x7  }
0x14c: {  	s12 =	sor.u32 s12, s23;
	s17 =	sadd.s32 $0xFD80, s7;
	v21 =	vld.idx.msk [tilespmem:v23+s18+$0x0], $0xffff;
	[tilespmem:s20+$0x0] =	vst v22;
	v22 =	vnsel vm1, $0x0, v10;
	v23 =	vor.u32 $0x100, v7;
	v19 =	vshll.u32 v19, $0x7  }
0x14d: {  	s22 =	sor.u32 s14, s17;
	[tilespmem:s12+$0x0] =	vst v27;
	v18 =	vld.idx.msk [tilespmem:v62+s18+$0x0], $0xffff;
	v22 =	vmin.u32 v22, $0x7;
	v19 =	vor.u32 v19, v14  }
0x14e: {  	s10 =	sor.u32 s10, s23;
	v24 =	vor.u32 $0x100, v4;
	[tilespmem:s22+$0x0] =	vst v61;
	v20 =	vld.idx.msk [tilespmem:v20+s18+$0x0], $0xffff;
	v27 =	vshll.u32 v22, $0x7  }
0x14f: {  	s26 =	sor.u32 s15, s17;
	v22 =	vld.idx.msk [tilespmem:v63+s18+$0x0], $0xffff;
	[tilespmem:s10+$0x0] =	vst v26;
	v15 =	vor.u32 v27, v15  }
0x150: {  	s13 =	sor.u32 s13, s23;
	s10 =	simm.s32 $0x4;
	[tilespmem:s26+$0x0] =	vst v31;
	v14 =	vld.idx.msk [tilespmem:v25+s18+$0x0], $0xffff  }
.LBB2_20:
0x151: {  	s10 =	sadd.s32 $0x4, s10;
	v23 =	vld.idx.msk [tilespmem:v23+s18+$0x0], $0xffff;
	s12 =	sor.u32 s8, s17;
	v25 =	vor.u32 $0x100, v3;
	s24 =	sadd.s32 $0x40, s24;
	[tilespmem:s13+$0x0] =	vst v16  }
0x152: {  	v16 =	vor.u32 $0x180, v8;
	s6 =	sor.u32 s6, s23;
	s13 =	sand.u32 $0x40, s24;
	s16 =	sshll.u32 s10, $0x5;
	[tilespmem:s12+$0x0] =	vst v21;
	v19 =	vld.idx.msk [tilespmem:v19+s18+$0x0], $0xffff  }
0x153: {  	vm0 =	vlt.u32 v13, $0x8;
	p0 =	slt.u32 s10, $0xFC;
	s23 =	sand.u32 $0xFFFFFF00, s16;
	s12 =	sor.u32 $0x30, s13;
	v21 =	vld.idx.msk [tilespmem:v24+s18+$0x0], $0xffff;
	[tilespmem:s6+$0x0] =	vst v18  }
0x154: {  	s20 =	sadd.s32 $0xFE00, s7;
	v13 =	vor.u32 $0x180, v7;
	s6 =	sor.u32 s2, s17;
	v18 =	vnsel vm0, $0x0, v20;
	s16 =	sor.u32 s12, s23;
	v20 =	vld.idx.msk [tilespmem:v15+s18+$0x0], $0xffff  }
0x155: {  	s17 =	sor.u32 s14, s20;
	vm0 =	vlt.u32 v12, $0x8;
	v1 =	vsub.f32 v1, v18;
	v15 =	vld [tilespmem:s16+$0x5D80];
	[tilespmem:s6+$0x0] =	vst v17;
	s6 =	smov.u32 s2;
	s2 =	smov.u32 s12  }
0x156: {  	v12 =	vor.u32 $0x180, v4;
	s12 =	sor.u32 $0x20, s13;
	v14 =	vnsel vm0, $0x0, v14;
	[tilespmem:s17+$0x0] =	vst v22;
	v17 =	vld.idx.msk [tilespmem:v25+s18+$0x0], $0xffff  }
0x157: {  	s22 =	sor.u32 s15, s20;
	vm0 =	vlt.u32 v11, $0x8;
	s17 =	sor.u32 s12, s23;
	v1 =	vsub.f32 v1, v14;
	v18 =	vld.idx.msk [tilespmem:v16+s18+$0x0], $0xffff  }
0x158: {  	v11 =	vor.u32 $0x180, v3;
	v14 =	vnsel vm0, $0x0, v19;
	v16 =	vld [tilespmem:s17+$0x5D80];
	[tilespmem:s22+$0x0] =	vst v23  }
0x159: {  	v19 =	vor.u32 $0x200, v8;
	vm0 =	vlt.u32 v10, $0x8;
	s22 =	sor.u32 s8, s20;
	v1 =	vsub.f32 v1, v14;
	v13 =	vld.idx.msk [tilespmem:v13+s18+$0x0], $0xffff  }
0x15a: {  	v14 =	vnsel vm0, $0x0, v20;
	v10 =	vld [tilespmem:s16+$0x3D80];
	[tilespmem:s22+$0x0] =	vst v21  }
0x15b: {  	v20 =	vor.u32 $0x200, v7;
	s22 =	sadd.s32 $0xFE80, s7;
	s16 =	sor.u32 s6, s20;
	v1 =	vsub.f32 v1, v14;
	v12 =	vld.idx.msk [tilespmem:v12+s18+$0x0], $0xffff  }
0x15c: {  	v21 =	vld [tilespmem:s17+$0x3D80];
	s17 =	sor.u32 s14, s22;
	[tilespmem:s16+$0x0] =	vst v17  }
0x15d: {  	v14 =	vor.u32 $0x200, v4;
	s16 =	sor.u32 $0x10, s13;
	[tilespmem:s17+$0x0] =	vst v18;
	v11 =	vld.idx.msk [tilespmem:v11+s18+$0x0], $0xffff  }
0x15e: {  	s20 =	sor.u32 s15, s22;
	s17 =	sor.u32 s16, s23;
	v17 =	vld.idx.msk [tilespmem:v19+s18+$0x0], $0xffff  }
0x15f: {  	v18 =	vld [tilespmem:s17+$0x5D80];
	[tilespmem:s20+$0x0] =	vst v13;
	v13 =	vor.u32 $0x200, v3  }
0x160: {  	v19 =	vor.u32 $0x280, v8;
	s20 =	sor.u32 s13, s23;
	s23 =	sor.u32 s8, s22;
	v22 =	vld.idx.msk [tilespmem:v20+s18+$0x0], $0xffff  }
0x161: {  	v20 =	vshll.u32 v10, $0x3;
	v23 =	vld [tilespmem:s20+$0x3D80];
	[tilespmem:s23+$0x0] =	vst v12  }
0x162: {  	v24 =	vor.u32 $0x280, v7;
	s22 =	sor.u32 s6, s22;
	v10 =	vand.u32 $0x7F, v10;
	v12 =	vand.u32 $0xFFFFFC00, v20;
	s23 =	sadd.s32 $0xFF00, s7;
	v25 =	vld.idx.msk [tilespmem:v14+s18+$0x0], $0xffff  }
0x163: {  	v20 =	vshll.u32 v21, $0x3;
	v14 =	vor.u32 v10, v12;
	v26 =	vld [tilespmem:s17+$0x3D80];
	s17 =	sor.u32 s14, s23;
	[tilespmem:s22+$0x0] =	vst v11  }
0x164: {  	v10 =	vand.u32 $0x7F, v21;
	v12 =	vor.u32 $0x280, v4;
	v11 =	vand.u32 $0xFFFFFC00, v20;
	[tilespmem:s17+$0x0] =	vst v17;
	v13 =	vld.idx.msk [tilespmem:v13+s18+$0x0], $0xffff  }
0x165: {  	v20 =	vor.u32 v10, v11;
	s17 =	sor.u32 s15, s23;
	v10 =	vld.idx.msk [tilespmem:v19+s18+$0x0], $0xffff  }
0x166: {  	v17 =	vor.u32 $0x280, v3;
	v19 =	vld [tilespmem:s20+$0x5D80];
	v11 =	vshll.u32 v23, $0x3;
	[tilespmem:s17+$0x0] =	vst v22  }
0x167: {  	v21 =	vand.u32 $0x7F, v23;
	v22 =	vor.u32 $0x300, v8;
	s17 =	sor.u32 s8, s23;
	v11 =	vand.u32 $0xFFFFFC00, v11;
	v23 =	vld.idx.msk [tilespmem:v24+s18+$0x0], $0xffff  }
0x168: {  	v21 =	vor.u32 v21, v11;
	v11 =	vshll.u32 v26, $0x3;
	v24 =	vld.idx.msk [tilespmem:v14+s18+$0x0], $0xffff;
	[tilespmem:s17+$0x0] =	vst v25  }
0x169: {  	s20 =	sadd.s32 $0xFF80, s7;
	v25 =	vand.u32 $0x7F, v26;
	v26 =	vor.u32 $0x300, v7;
	s17 =	sor.u32 s6, s23;
	v11 =	vand.u32 $0xFFFFFC00, v11;
	v12 =	vld.idx.msk [tilespmem:v12+s18+$0x0], $0xffff  }
0x16a: {  	s22 =	sor.u32 s14, s20;
	v25 =	vor.u32 v25, v11;
	v27 =	vld.idx.msk [tilespmem:v20+s18+$0x0], $0xffff;
	[tilespmem:s17+$0x0] =	vst v13  }
0x16b: {  	[tilespmem:s22+$0x0] =	vst v10;
	v10 =	vor.u32 $0x300, v4;
	v28 =	vld.idx.msk [tilespmem:v17+s18+$0x0], $0xffff  }
0x16c: {  	s17 =	sshll.u32 s10, $0x7;
	v11 =	vor.u32 $0x80, v14;
	s22 =	sor.u32 s15, s20;
	v22 =	vld.idx.msk [tilespmem:v22+s18+$0x0], $0xffff  }
0x16d: {  	s17 =	sand.u32 $0x3FFFFC00, s17;
	v29 =	vld.idx.msk [tilespmem:v21+s18+$0x0], $0xffff;
	[tilespmem:s22+$0x0] =	vst v23;
	v23 =	vor.u32 $0x300, v3  }
0x16e: {  	v30 =	vor.u32 $0x380, v8;
	s23 =	sor.u32 s8, s20;
	s22 =	sadd.s32 $0xFD00, s17;
	v26 =	vld.idx.msk [tilespmem:v26+s18+$0x0], $0xffff  }
0x16f: {  	v31 =	vor.u32 $0x80, v21;
	s26 =	sor.u32 s2, s22;
	v32 =	vld.idx.msk [tilespmem:v25+s18+$0x0], $0xffff;
	[tilespmem:s23+$0x0] =	vst v12  }
0x170: {  	v13 =	vsub.s32 v9, v0;
	s20 =	sor.u32 s6, s20;
	[tilespmem:s26+$0x0] =	vst v24;
	s26 =	sadd.s32 $0x10000, s7;
	v24 =	vor.u32 $0x380, v7;
	v33 =	vld.idx.msk [tilespmem:v10+s18+$0x0], $0xffff;
	v10 =	vsub.s32 v2, v0  }
0x171: {  	v34 =	vor.u32 $0x80, v25;
	vm0 =	vgt.s32 v13, $0x0;
	v2 =	vmovc v15;
	v17 =	vld.idx.msk [tilespmem:v11+s18+$0x0], $0xffff;
	s23 =	sor.u32 s14, s26;
	v11 =	vsub.s32 v5, v0;
	[tilespmem:s20+$0x0] =	vst v28  }
0x172: {  	v35 =	vnsel vm0, $0x0, v13;
	v12 =	vsub.s32 v6, v0;
	v15 =	vor.u32 $0x380, v4;
	s20 =	sor.u32 s13, s22;
	v5 =	vmovc v16;
	[tilespmem:s23+$0x0] =	vst v22;
	v22 =	vld.idx.msk [tilespmem:v23+s18+$0x0], $0xffff  }
0x173: {  	v9 =	vmovc v19;
	v6 =	vmovc v18;
	vm0 =	vgt.s32 v12, $0x0;
	v28 =	vor.u32 $0x80, v20;
	v16 =	vmin.u32 v35, $0x7;
	[tilespmem:s20+$0x0] =	vst v29;
	v29 =	vld.idx.msk [tilespmem:v30+s18+$0x0], $0xffff;
	s20 =	sor.u32 s15, s26  }
0x174: {  	v18 =	vnsel vm0, $0x0, v12;
	s23 =	sor.u32 s16, s22;
	v16 =	vshll.u32 v16, $0x7;
	v30 =	vld.idx.msk [tilespmem:v31+s18+$0x0], $0xffff;
	[tilespmem:s20+$0x0] =	vst v26;
	v26 =	vor.u32 $0x380, v3  }
0x175: {  	vm0 =	vgt.s32 v11, $0x0;
	v31 =	vor.u32 v16, v8;
	v16 =	vmin.u32 v18, $0x7;
	s20 =	sor.u32 s8, s26;
	v8 =	vmovc v21;
	[tilespmem:s23+$0x0] =	vst v32;
	v32 =	vld.idx.msk [tilespmem:v24+s18+$0x0], $0xffff  }
0x176: {  	s22 =	sor.u32 s12, s22;
	v18 =	vnsel vm0, $0x0, v11;
	v35 =	vor.u32 $0x100, v8;
	v16 =	vshll.u32 v16, $0x7;
	v34 =	vld.idx.msk [tilespmem:v34+s18+$0x0], $0xffff;
	[tilespmem:s20+$0x0] =	vst v33  }
0x177: {  	vm0 =	vgt.s32 v10, $0x0;
	s23 =	sadd.s32 $0x10080, s7;
	s7 =	smov.u32 s17;
	s20 =	sor.u32 s6, s26;
	[tilespmem:s22+$0x0] =	vst v27;
	v27 =	vor.u32 v16, v7;
	v16 =	vld.idx.msk [tilespmem:v15+s18+$0x0], $0xffff;
	v15 =	vmin.u32 v18, $0x7;
	v7 =	vmovc v25  }
.Ltmp8:
0x178: {  	s17 =	sadd.s32 $0xFD80, s7;
	s14 =	sor.u32 s14, s23;
	v23 =	vor.u32 $0x100, v7;
	v21 =	vld.idx.msk [tilespmem:v28+s18+$0x0], $0xffff;
	v15 =	vshll.u32 v15, $0x7;
	[tilespmem:s20+$0x0] =	vst v22;
	v22 =	vnsel vm0, $0x0, v10;
	(pc) =	sbr.rel @p0 .LBB2_20-.Ltmp8, $4  }
0x179: {  	s20 =	sor.u32 s13, s17;
	[tilespmem:s14+$0x0] =	vst v29;
	v19 =	vor.u32 v15, v4;
	v18 =	vld.idx.msk [tilespmem:v26+s18+$0x0], $0xffff;
	v15 =	vmin.u32 v22, $0x7;
	v4 =	vmov v20;
	s14 =	smov.u32 s13  }
0x17a: {  	s13 =	sor.u32 s15, s23;
	s15 =	smov.u32 s16;
	[tilespmem:s20+$0x0] =	vst v30;
	v24 =	vor.u32 $0x100, v4;
	v20 =	vld.idx.msk [tilespmem:v31+s18+$0x0], $0xffff;
	v15 =	vshll.u32 v15, $0x7  }
0x17b: {  	s16 =	sor.u32 s15, s17;
	v22 =	vld.idx.msk [tilespmem:v35+s18+$0x0], $0xffff;
	[tilespmem:s13+$0x0] =	vst v32;
	v15 =	vor.u32 v15, v3;
	v3 =	vmov v14  }
0x17c: {  	s13 =	sor.u32 s8, s23;
	s8 =	smov.u32 s12;
	[tilespmem:s16+$0x0] =	vst v34;
	v14 =	vld.idx.msk [tilespmem:v27+s18+$0x0], $0xffff  }
0x17d: {  	_ =	sdelay $0x1  }
0x17e: {  	v25 =	vor.u32 $0x100, v3  }
0x17f: {  	v26 =	vor.u32 $0x180, v8  }
0x180: {  	v23 =	vld.idx.msk [tilespmem:v23+s18+$0x0], $0xffff;
	s10 =	sor.u32 s8, s17  }
0x181: {  	s24 =	sadd.s32 $0xFE00, s7;
	v60 =	vor.u32 $0x180, v7;
	s12 =	sor.u32 s2, s17;
	[tilespmem:s10+$0x0] =	vst v21  }
0x182: {  	[tilespmem:s12+$0x0] =	vst v17;
	s26 =	sor.u32 s14, s24;
	v24 =	vld.idx.msk [tilespmem:v24+s18+$0x0], $0xffff  }
0x183: {  	v61 =	vor.u32 $0x180, v4;
	[tilespmem:s26+$0x0] =	vst v22;
	v62 =	vld.idx.msk [tilespmem:v25+s18+$0x0], $0xffff  }
0x184: {  	v28 =	vor.u32 $0x180, v3;
	s16 =	sor.u32 s15, s24;
	v63 =	vld.idx.msk [tilespmem:v26+s18+$0x0], $0xffff  }
0x185: {  	v29 =	vor.u32 $0x200, v8;
	[tilespmem:s16+$0x0] =	vst v23  }
0x186: {  	s17 =	sor.u32 s8, s24;
	v21 =	vld.idx.msk [tilespmem:v60+s18+$0x0], $0xffff  }
0x187: {  	s20 =	sadd.s32 $0xFE80, s7;
	v30 =	vor.u32 $0x200, v7;
	s10 =	sor.u32 s2, s24;
	[tilespmem:s17+$0x0] =	vst v24  }
0x188: {  	s22 =	sor.u32 s14, s20;
	v17 =	vld.idx.msk [tilespmem:v61+s18+$0x0], $0xffff;
	[tilespmem:s10+$0x0] =	vst v62  }
0x189: {  	v31 =	vor.u32 $0x200, v4;
	[tilespmem:s22+$0x0] =	vst v63;
	v32 =	vld.idx.msk [tilespmem:v28+s18+$0x0], $0xffff  }
0x18a: {  	v33 =	vor.u32 $0x200, v3;
	s24 =	sor.u32 s15, s20;
	v23 =	vld.idx.msk [tilespmem:v29+s18+$0x0], $0xffff  }
0x18b: {  	v34 =	vor.u32 $0x280, v8;
	[tilespmem:s24+$0x0] =	vst v21  }
0x18c: {  	s26 =	sor.u32 s8, s20;
	v24 =	vld.idx.msk [tilespmem:v30+s18+$0x0], $0xffff  }
0x18d: {  	v35 =	vor.u32 $0x280, v7;
	s12 =	sor.u32 s2, s20;
	s16 =	sadd.s32 $0xFF00, s7;
	[tilespmem:s26+$0x0] =	vst v17  }
0x18e: {  	s17 =	sor.u32 s14, s16;
	v22 =	vld.idx.msk [tilespmem:v31+s18+$0x0], $0xffff;
	[tilespmem:s12+$0x0] =	vst v32  }
0x18f: {  	v36 =	vor.u32 $0x280, v4;
	[tilespmem:s17+$0x0] =	vst v23;
	v25 =	vld.idx.msk [tilespmem:v33+s18+$0x0], $0xffff  }
0x190: {  	v37 =	vor.u32 $0x280, v3;
	s20 =	sor.u32 s15, s16;
	v21 =	vld.idx.msk [tilespmem:v34+s18+$0x0], $0xffff  }
0x191: {  	v38 =	vor.u32 $0x300, v8;
	[tilespmem:s20+$0x0] =	vst v24  }
0x192: {  	s22 =	sor.u32 s8, s16;
	v17 =	vld.idx.msk [tilespmem:v35+s18+$0x0], $0xffff  }
0x193: {  	v39 =	vor.u32 $0x300, v7;
	s10 =	sor.u32 s2, s16;
	s24 =	sadd.s32 $0xFF80, s7;
	[tilespmem:s22+$0x0] =	vst v22  }
0x194: {  	s26 =	sor.u32 s14, s24;
	v23 =	vld.idx.msk [tilespmem:v36+s18+$0x0], $0xffff;
	[tilespmem:s10+$0x0] =	vst v25  }
0x195: {  	v40 =	vor.u32 $0x300, v4;
	[tilespmem:s26+$0x0] =	vst v21;
	v25 =	vld.idx.msk [tilespmem:v37+s18+$0x0], $0xffff  }
0x196: {  	v41 =	vor.u32 $0x300, v3;
	s16 =	sor.u32 s15, s24;
	v24 =	vld.idx.msk [tilespmem:v38+s18+$0x0], $0xffff  }
0x197: {  	v42 =	vor.u32 $0x380, v8;
	[tilespmem:s16+$0x0] =	vst v17  }
0x198: {  	vm0 =	vlt.u32 v13, $0x8;
	v9 =	vsub.s32 v9, v0;
	v45 =	vor.u32 $0x380, v7;
	s17 =	sor.u32 s8, s24;
	v44 =	vld.idx.msk [tilespmem:v39+s18+$0x0], $0xffff  }
0x199: {  	v5 =	vsub.s32 v5, v0;
	v6 =	vsub.s32 v6, v0;
	vm5 =	vgt.s32 v9, $0x0;
	s12 =	sor.u32 s2, s24;
	s20 =	sadd.s32 $0x10000, s7;
	[tilespmem:s17+$0x0] =	vst v23  }
0x19a: {  	v47 =	vor.u32 $0x380, v4;
	v51 =	vor.u32 $0x380, v3;
	v46 =	vnsel vm5, $0x0, v9;
	s22 =	sor.u32 s14, s20;
	v21 =	vld.idx.msk [tilespmem:v40+s18+$0x0], $0xffff;
	[tilespmem:s12+$0x0] =	vst v25  }
0x19b: {  	v2 =	vsub.s32 v2, v0;
	vm6 =	vgt.s32 v6, $0x0;
	v22 =	vmin.u32 v46, $0x7;
	[tilespmem:s22+$0x0] =	vst v24;
	v48 =	vld.idx.msk [tilespmem:v41+s18+$0x0], $0xffff  }
0x19c: {  	[tilespmem:s13+$0x0] =	vst v16;
	vm9 =	vlt.u32 v12, $0x8;
	v50 =	vnsel vm6, $0x0, v6;
	s24 =	sor.u32 s15, s20;
	v49 =	vshll.u32 v22, $0x7;
	v13 =	vld.idx.msk [tilespmem:v42+s18+$0x0], $0xffff  }
0x19d: {  	s6 =	sor.u32 s6, s23;
	v19 =	vld.idx.msk [tilespmem:v19+s18+$0x0], $0xffff;
	vm7 =	vgt.s32 v5, $0x0;
	v53 =	vmin.u32 v50, $0x7;
	v52 =	vor.u32 v49, v8;
	[tilespmem:s24+$0x0] =	vst v44  }
0x19e: {  	[tilespmem:s6+$0x0] =	vst v18;
	vm8 =	vgt.s32 v2, $0x0;
	v54 =	vnsel vm7, $0x0, v5;
	v16 =	vshll.u32 v53, $0x7;
	s26 =	sor.u32 s8, s20;
	v17 =	vld.idx.msk [tilespmem:v45+s18+$0x0], $0xffff  }
0x19f: {  	v43 =	vnsel vm0, $0x0, v20;
	v15 =	vld.idx.msk [tilespmem:v15+s18+$0x0], $0xffff;
	v56 =	vmin.u32 v54, $0x7;
	v55 =	vor.u32 v16, v7;
	s13 =	sor.u32 s2, s20;
	s12 =	sadd.s32 $0x10080, s7;
	[tilespmem:s26+$0x0] =	vst v21  }
0x1a0: {  	v57 =	vnsel vm8, $0x0, v2;
	v1 =	vsub.f32 v1, v43;
	v16 =	vshll.u32 v56, $0x7;
	s14 =	sor.u32 s14, s12;
	v58 =	vld.idx.msk [tilespmem:v47+s18+$0x0], $0xffff;
	[tilespmem:s13+$0x0] =	vst v48  }
0x1a1: {  	v14 =	vnsel vm9, $0x0, v14;
	v59 =	vor.u32 v16, v4;
	v61 =	vmin.u32 v57, $0x7;
	[tilespmem:s14+$0x0] =	vst v13;
	v60 =	vld.idx.msk [tilespmem:v51+s18+$0x0], $0xffff  }
0x1a2: {  	vm10 =	vlt.u32 v11, $0x8;
	v1 =	vsub.f32 v1, v14;
	v62 =	vshll.u32 v61, $0x7;
	s15 =	sor.u32 s15, s12;
	v8 =	vld.idx.msk [tilespmem:v52+s18+$0x0], $0xffff  }
0x1a3: {  	v63 =	vnsel vm10, $0x0, v19;
	v3 =	vor.u32 v62, v3;
	[tilespmem:s15+$0x0] =	vst v17  }
0x1a4: {  	vm11 =	vlt.u32 v10, $0x8;
	v1 =	vsub.f32 v1, v63;
	s17 =	sadd.s32 $0x3, s31;
	s16 =	sor.u32 s8, s12;
	v7 =	vld.idx.msk [tilespmem:v55+s18+$0x0], $0xffff  }
0x1a5: {  	v10 =	vnsel vm11, $0x0, v15;
	s22 =	smulhi.u32 $0x51EB851F, s17;
	[tilespmem:s16+$0x0] =	vst v58  }
0x1a6: {  	vm12 =	vlt.u32 v9, $0x8;
	v1 =	vsub.f32 v1, v10;
	s20 =	sor.u32 s2, s12;
	v4 =	vld.idx.msk [tilespmem:v59+s18+$0x0], $0xffff  }
0x1a7: {  	s0 =	sadd.s32 s0, s29;
	s23 =	sshrl.u32 s22, $0x4;
	[tilespmem:s20+$0x0] =	vst v60;
	v8 =	vnsel vm12, $0x0, v8  }
0x1a8: {  	vm13 =	vlt.u32 v6, $0x8;
	s0 =	sshrl.u32 s0, $0x3;
	s2 =	smul.u32 $0x32, s23;
	v3 =	vld.idx.msk [tilespmem:v3+s18+$0x0], $0xffff;
	v1 =	vsub.f32 v1, v8  }
0x1a9: {  	s0 =	sadd.s32 s1, s0;
	v6 =	vnsel vm13, $0x0, v7  }
0x1aa: {  	vm14 =	vlt.u32 v5, $0x8;
	s24 =	simm.s32 $0x0;
	s26 =	simm.s32 $0xFD00;
	s31 =	ssub.s32 s17, s2;
	v1 =	vsub.f32 v1, v6  }
0x1ab: {  	[hbm4b:s0+s24] =	stream.linear.scatter [tilespmem:s26], [sflag:$0x4], $0x8000, $0x38;
	v4 =	vnsel vm14, $0x0, v4;
	[tilespmem:$0x17D00] =	vst v63  }
0x1ac: {  	vm15 =	vlt.u32 v2, $0x8;
	s0 =	sshll.u32 s31, $0x9;
	v1 =	vsub.f32 v1, v4  }
0x1ad: {  	s6 =	simm.s32 $0x3D80;
	s2 =	sadd.s32 s4, s0;
	v2 =	vnsel vm15, $0x0, v3  }
0x1ae: {  	s7 =	simm.s32 $0x10;
	s8 =	simm.s32 $0x3E80;
	s10 =	sadd.s32 $0x0, s2;
	v1 =	vsub.f32 v1, v2  }
.LBB2_22:
0x1af: {  	[tilespmem:s6], [sflag:$0x2] =	stream.linear.gather [hbm4b:s10+s3], $0x80, $0x38;
	[tilespmem:$0x17D00] =	vst v63  }
0x1b0: {  	s10 =	smov.u32 s7;
	s6 =	smov.u32 s8;
	p0 =	sne.s32 s7, $0x1F0  }
.Ltmp9:
0x1b1: {  	s7 =	sadd.s32 $0x10, s7;
	(pc) =	sbr.rel @p0 .LBB2_22-.Ltmp9, $2  }
0x1b2: {  	_ =	sdelay $0x2  }
0x1b3: {  	s8 =	sadd.s32 $0x100, s8;
	s10 =	sadd.s32 s10, s2  }
0x1b4: {  	[tilespmem:s6], [sflag:$0x2] =	stream.linear.gather [hbm4b:s10+s3], $0x80, $0x38;
	[tilespmem:$0x17D00] =	vst v63  }
0x1b5: {  	s0 =	sadd.s32 s5, s0;
	s2 =	simm.s32 $0x5D80  }
0x1b6: {  	s6 =	simm.s32 $0x10;
	s7 =	simm.s32 $0x5E80;
	s8 =	sadd.s32 $0x0, s0  }
.LBB2_24:
0x1b7: {  	[tilespmem:s2], [sflag:$0x2] =	stream.linear.gather [hbm4b:s8+s3], $0x80, $0x38;
	[tilespmem:$0x17D00] =	vst v63  }
0x1b8: {  	s8 =	smov.u32 s6;
	s2 =	smov.u32 s7;
	p0 =	sne.s32 s6, $0x1F0  }
.Ltmp10:
0x1b9: {  	s6 =	sadd.s32 $0x10, s6;
	(pc) =	sbr.rel @p0 .LBB2_24-.Ltmp10, $2  }
0x1ba: {  	_ =	sdelay $0x2  }
0x1bb: {  	s7 =	sadd.s32 $0x100, s7;
	s8 =	sadd.s32 s8, s0  }
0x1bc: {  	s30 =	sadd.s32 $0x1, s30  }
0x1bd: {  	p0 =	sne.s32 s30, $0x19  }
.Ltmp11:
0x1be: {  	_ = 	snop;
	(pc) =	sbr.rel @p0 .LBB2_13-.Ltmp11, $2  }
0x1bf: {  	_ =	sdelay $0x2  }
0x1c0: {  	[tilespmem:s2], [sflag:$0x2] =	stream.linear.gather [hbm4b:s8+s3], $0x80, $0x38;
	[tilespmem:$0x17D00] =	vst v63  }
0x1c1: {  	s0 =	simm.s32 $0x3  }
0x1c2: {  	_ =	swait.ge [sflag:s0], $0x8000  }
0x1c3: {  	[sflag:s0] =	ssyncset.done $0x0  }
0x1c4: {  	s2 =	simm.s32 $0x4;
	[sflag:s0] =	ssyncadd.s32 $0xFFFF8000  }
0x1c5: {  	_ =	swait.ge [sflag:s2], $0x8000  }
0x1c6: {  	s25 =	sadd.s32 $0x1, s25;
	s31 =	rddreg [dreg:$0x6]  }
0x1c7: {  	p0 =	sne.s32 s25, s31  }
.Ltmp12:
0x1c8: {  	_ = 	snop;
	(pc) =	sbr.rel @p0 .LBB2_12-.Ltmp12, $3  }
0x1c9: {  	_ =	sdelay $0x1  }
0x1ca: {  	[sflag:s2] =	ssyncset.done $0x0  }
0x1cb: {  	s8 =	simm.s32 $0x5;
	[sflag:s2] =	ssyncadd.s32 $0xFFFF8000  }
0x1cc: {  	_ =	swait.ge [sflag:s19], $0x1000  }
0x1cd: {  	[sflag:s19] =	ssyncset.done $0x0  }
0x1ce: {  	[sflag:s19] =	ssyncadd.s32 $0xFFFFF000  }
0x1cf: {  	_ =	swait.ge [sflag:s19], $0x1000  }
0x1d0: {  	[sflag:s19] =	ssyncset.done $0x0  }
0x1d1: {  	[sflag:s19] =	ssyncadd.s32 $0xFFFFF000  }
0x1d2: {  	_ =	swait.ge [sflag:s21], $0x1000  }
0x1d3: {  	[sflag:s21] =	ssyncset.done $0x0  }
0x1d4: {  	[sflag:s21] =	ssyncadd.s32 $0xFFFFF000  }
0x1d5: {  	_ =	swait.ge [sflag:s21], $0x1000  }
0x1d6: {  	v0 =	vadd.f32 $0.0e+00, v1;
	[sflag:s21] =	ssyncset.done $0x0  }
0x1d7: {  	[sflag:s21] =	ssyncadd.s32 $0xFFFFF000  }
0x1d8: {  	s6 =	simm.s32 $0x1900;
	s0 =	rddreg [dreg:$0x8];
	[tilespmem:$0x1900] =	vst v0  }
0x1d9: {  	[hbm4b:s0+s3] =	stream.linear.scatter [tilespmem:s6], [sflag:$0x5], $0x10, $0x38;
	[tilespmem:$0x17D00] =	vst v63  }
0x1da: {  	_ =	swait.ge [sflag:s8], $0x10  }
0x1db: {  	s2 =	rddreg [dreg:$0xa]  }
0x1dc: {  	s31 =	rddreg [dreg:$0x9];
	s2 =	sadd.s32 $0x1, s2  }
0x1dd: {  	p0 =	sne.s32 s2, s31  }
.Ltmp13:
0x1de: {  	_ = 	snop;
	(pc) =	sbr.rel @p0 .LBB2_1-.Ltmp13, $3  }
0x1df: {  	_ =	sdelay $0x1  }
0x1e0: {  	[sflag:s8] =	ssyncset.done $0x0  }
0x1e1: {  	[sflag:s8] =	ssyncadd.s32 $0xFFFFFFF0  }
0x1e2: {  	_ =	sfence.sel $0x180000  }
0x1e3: {  	[bflag:$0x0] =	sbarrier.arrive $0xFFFF  }
0x1e4: {  	_ =	strace $0x90000047  }
0x1e5: {  	s0 =	stileid.u32;
	[bflag:$0x2] =	sbarrier.arrive $0xFFFF  }
0x1e6: {  	p0 =	sne.s32 s0, $0x0;
	s0 =	rddreg [dreg:$0x2]  }
0x1e7: {  	s0 =	sadd.s32 @!p0 $0x100000, s0  }
0x1e8: {  	[sflag:s0] =	ssyncadd.tile.s32 @!p0 $0x1;
	_ =	shalt  }
.Lfunc_end2:
_tile_overlayer_lowered:
.L_overlay_start_2:
0x1e9: {  	(tag) =	ssettag $0x2  }
0x1ea: {  	s0 =	rddreg [dreg:$0x0];
	s2 =	stileid.u32  }
0x1eb: {  	s1 =	rddreg [dreg:$0x1];
	p0 =	sne.s32 s2, $0x0  }
0x1ec: {  	s3 =	rddreg [dreg:$0x2];
	[bflag:$0x3] =	sbarrier.arrive $0xFFFF;
	s2 =	simm.s32 @!p0 $0x1C05  }
0x1ed: {  	[timem:s3], [sflag:s2] =	dma.local @!p0 [hbm:s0], s1  }
0x1ee: {  	s0 =	simm.s32 @!p0 $0x5  }
0x1ef: {  	_ =	swait.ge @!p0 [sflag:s0], s1  }
0x1f0: {  	s1 =	ssub.s32 @!p0 $0x0, s1;
	[sflag:s0] =	ssyncset.done @!p0 $0x0  }
0x1f1: {  	[sflag:s0] =	ssyncadd.s32 @!p0 s1  }
0x1f2: {  	[bflag:$0x3] =	sbarrier.arrive $0xFFFF  }
0x1f3: {  	_ =	shalt  }

</sc_bundles>
